<compile_context>
chip_gen: v7x
topology: tpu7x:2x2x1
jax: 0.10.2.dev20260603
libtpu: 0.0.44.dev20260713+nightly
codegen_flags: <defaults>
</compile_context>

<pallas_src>
import functools

import jax
import jax.numpy as jnp
from jax import lax
from jax.experimental import pallas as pl
from jax.experimental.pallas import tpu as pltpu
from jax.experimental.pallas import tpu_sc as plsc

NUM_ROWS = 1_000_000
DIM = 32
ROWS, COLS = 16384, 50
COLS_PAD = 56
NC, NS = 2, 16
NW = NC * NS
IPW = ROWS // NW
CHUNK = 128
KPC = IPW // CHUNK
NBUF = 8
STEPS = COLS * KPC
GROUPS = STEPS // NBUF


def _make_gather():
    mesh = plsc.VectorSubcoreMesh(
        core_axis_name="c", subcore_axis_name="s",
        num_cores=NC, num_subcores=NS)

    @functools.partial(
        pl.kernel,
        out_type=jax.ShapeDtypeStruct((ROWS, COLS_PAD, DIM), jnp.float32),
        mesh=mesh,
        compiler_params=pltpu.CompilerParams(use_tc_tiling_on_sc=False),
        scratch_types=[
            pltpu.VMEM((COLS, IPW), jnp.int32),
            [pltpu.VMEM((CHUNK, DIM), jnp.float32) for _ in range(NBUF)],
            [pltpu.SemaphoreType.DMA for _ in range(NBUF)],
        ],
    )
    def gather_kernel(idx_hbm, table_hbm, out_hbm, idx_v, rows, gsems):
        wid = lax.axis_index("s") * NC + lax.axis_index("c")
        base = wid * IPW
        pltpu.sync_copy(idx_hbm.at[:, pl.ds(base, IPW)], idx_v)

        def gather_chunk(j, b):
            c = j // KPC
            k = j - c * KPC
            src = table_hbm.at[idx_v.at[c, pl.ds(k * CHUNK, CHUNK)]]
            return pltpu.make_async_copy(src, rows[b], gsems[b])

        for b in range(NBUF):
            gather_chunk(b, b).start()

        def group_body(g, _):
            j0 = g * NBUF
            for b in range(NBUF):
                j = j0 + b
                c = j // KPC
                k = j - c * KPC
                gather_chunk(j, b).wait()
                pltpu.sync_copy(
                    rows[b],
                    out_hbm.at[pl.ds(base + k * CHUNK, CHUNK), c])
                nxt = j + NBUF

                @pl.when(nxt < STEPS)
                def _():
                    gather_chunk(nxt, b).start()
            return ()

        lax.fori_loop(0, GROUPS, group_body, (), unroll=False)

    return gather_kernel


_gather = _make_gather()


@jax.jit
def kernel(input, weight):
    out = _gather(input.T, weight)
    return lax.slice(out, (0, 0, 0), (ROWS, COLS, DIM))

# --- scband reference (transcript-rebuilt; emitter-appended) ---
"""Pipeline reference for scband-meta-embedding-base-89730456748300 (READ-ONLY COPY).

The authoritative reference and input builder live on the scoring server;
editing this copy changes nothing except your own understanding.
"""

import jax, jax.numpy as jnp
import numpy as np

NUM_EMBEDDINGS = 1000000
EMBEDDING_DIM = 32

def setup_inputs(seed: int = 0) -> dict:
    key = jax.random.key(seed)
    k1, k2 = jax.random.split(key)
    input_ids = jax.random.randint(k1, (16384, 50), 0, NUM_EMBEDDINGS, dtype=jnp.int64 if jax.config.jax_enable_x64 else jnp.int32)
    weight = jax.random.normal(k2, (NUM_EMBEDDINGS, EMBEDDING_DIM), dtype=jnp.float32)
    return {"input": input_ids, "weight": weight}

def reference(input, weight):
    # MetaEmbeddingBase.forward: padding_idx=None, max_norm=None, no renorm,
    # scale_grad_by_freq=False, sparse=False -> plain gather of rows.
    return jnp.take(weight, input, axis=0)

if __name__ == "__main__":
    import jax
    _d = setup_inputs()
    print(jax.jit(kernel)(*tuple(_d.values())))

</pallas_src>

<mosaic_0001>
#map = affine_map<(d0, d1) -> (0, 0)>
#map1 = affine_map<(d0, d1) -> (0, 0, 0)>
module attributes {stable_mosaic.version = 14 : i64} {
  func.func @gather_kernel(%arg0: i32, %arg1: i32, %arg2: memref<50x16384xi32, #tpu.memory_space<hbm>>, %arg3: memref<1000000x32xf32, #tpu.memory_space<hbm>>, %arg4: memref<16384x56x32xf32, #tpu.memory_space<hbm>>, %arg5: memref<50x512xi32, #tpu.memory_space<vmem>>, %arg6: memref<128x32xf32, #tpu.memory_space<vmem>>, %arg7: memref<128x32xf32, #tpu.memory_space<vmem>>, %arg8: memref<128x32xf32, #tpu.memory_space<vmem>>, %arg9: memref<128x32xf32, #tpu.memory_space<vmem>>, %arg10: memref<128x32xf32, #tpu.memory_space<vmem>>, %arg11: memref<128x32xf32, #tpu.memory_space<vmem>>, %arg12: memref<128x32xf32, #tpu.memory_space<vmem>>, %arg13: memref<128x32xf32, #tpu.memory_space<vmem>>, %arg14: memref<!tpu.dma_semaphore, #tpu.memory_space<semaphore_mem>>, %arg15: memref<!tpu.dma_semaphore, #tpu.memory_space<semaphore_mem>>, %arg16: memref<!tpu.dma_semaphore, #tpu.memory_space<semaphore_mem>>, %arg17: memref<!tpu.dma_semaphore, #tpu.memory_space<semaphore_mem>>, %arg18: memref<!tpu.dma_semaphore, #tpu.memory_space<semaphore_mem>>, %arg19: memref<!tpu.dma_semaphore, #tpu.memory_space<semaphore_mem>>, %arg20: memref<!tpu.dma_semaphore, #tpu.memory_space<semaphore_mem>>, %arg21: memref<!tpu.dma_semaphore, #tpu.memory_space<semaphore_mem>>) attributes {dimension_semantics = [#tpu.dimension_semantics<core_parallel>, #tpu.dimension_semantics<subcore_parallel>], iteration_bounds = array<i64: 2, 16>, scalar_prefetch = 0 : i64, scratch_operands = 17 : i64, tpu.core_type = #tpu.core_type<sc_vector_subcore>, window_params = [{transform_indices = #map}, {transform_indices = #map}, {transform_indices = #map1}]} {
    %mul3A = arith.constant 2 : i32
    %mul3A_0 = arith.muli %arg1, %mul3A : i32
    %add3A = arith.addi %mul3A_0, %arg0 : i32
    %mul3A_1 = arith.constant 512 : i32
    %mul3A_2 = arith.muli %add3A, %mul3A_1 : i32
    "tpu.region"() ({
      %run_scoped3A = tpu.sem_alloc : memref<!tpu.dma_semaphore, #tpu.memory_space<semaphore_mem>>
      %dma_start3A_62 = arith.constant 0 : i32
      %dma_start3A_63 = tpu.memref_slice %arg2[%dma_start3A_62, %mul3A_2] : memref<50x16384xi32, #tpu.memory_space<hbm>> -> memref<50x512xi32, #tpu.memory_space<hbm>>
      %dma_start3A_64 = arith.constant 0 : i32
      %dma_start3A_65 = tpu.memref_slice %arg2[%dma_start3A_64, %mul3A_2] : memref<50x16384xi32, #tpu.memory_space<hbm>> -> memref<50x512xi32, #tpu.memory_space<hbm>>
      tpu.enqueue_dma source(%dma_start3A_65 : memref<50x512xi32, #tpu.memory_space<hbm>>) target(%arg5 : memref<50x512xi32, #tpu.memory_space<vmem>>) target_semaphore(%run_scoped3A : memref<!tpu.dma_semaphore, #tpu.memory_space<semaphore_mem>>)
      %dma_wait3A = arith.constant 0 : i32
      %dma_wait3A_66 = tpu.memref_slice %arg2[%dma_wait3A, %mul3A_2] : memref<50x16384xi32, #tpu.memory_space<hbm>> -> memref<50x512xi32, #tpu.memory_space<hbm>>
      %dma_wait3A_67 = arith.constant 0 : i32
      %dma_wait3A_68 = tpu.memref_slice %arg2[%dma_wait3A_67, %mul3A_2] : memref<50x16384xi32, #tpu.memory_space<hbm>> -> memref<50x512xi32, #tpu.memory_space<hbm>>
      tpu.wait_dma2 semaphore(%run_scoped3A : memref<!tpu.dma_semaphore, #tpu.memory_space<semaphore_mem>>) src(%dma_wait3A_68 : memref<50x512xi32, #tpu.memory_space<hbm>>) dst(%arg5 : memref<50x512xi32, #tpu.memory_space<vmem>>)
      tpu.yield
    }) : () -> ()
    %dma_start3A = arith.constant 0 : i32
    %dma_start3A_3 = arith.constant 0 : i32
    %dma_start3A_4 = tpu.memref_slice %arg5[%dma_start3A, %dma_start3A_3] : memref<50x512xi32, #tpu.memory_space<vmem>> -> memref<1x128xi32, #tpu.memory_space<vmem>>
    %dma_start3A_5 = tpu.memref_squeeze %dma_start3A_4 : memref<1x128xi32, #tpu.memory_space<vmem>> -> memref<128xi32, #tpu.memory_space<vmem>>
    %dma_start3A_6 = arith.constant 0 : i32
    %dma_start3A_7 = arith.constant 0 : i32
    %dma_start3A_8 = tpu.memref_slice %arg3[%dma_start3A_6, %dma_start3A_7] : memref<1000000x32xf32, #tpu.memory_space<hbm>> -> memref<1000000x32xf32, #tpu.memory_space<hbm>>
    tpu.enqueue_indirect_dma source(%dma_start3A_8 : memref<1000000x32xf32, #tpu.memory_space<hbm>>) target(%arg6 : memref<128x32xf32, #tpu.memory_space<vmem>>) offsets(%dma_start3A_5 : memref<128xi32, #tpu.memory_space<vmem>>) semaphore(%arg14 : memref<!tpu.dma_semaphore, #tpu.memory_space<semaphore_mem>>)
    %dma_start3A_9 = arith.constant 0 : i32
    %dma_start3A_10 = arith.constant 128 : i32
    %dma_start3A_11 = tpu.memref_slice %arg5[%dma_start3A_9, %dma_start3A_10] : memref<50x512xi32, #tpu.memory_space<vmem>> -> memref<1x128xi32, #tpu.memory_space<vmem>>
    %dma_start3A_12 = tpu.memref_squeeze %dma_start3A_11 : memref<1x128xi32, #tpu.memory_space<vmem>> -> memref<128xi32, #tpu.memory_space<vmem>>
    %dma_start3A_13 = arith.constant 0 : i32
    %dma_start3A_14 = arith.constant 0 : i32
    %dma_start3A_15 = tpu.memref_slice %arg3[%dma_start3A_13, %dma_start3A_14] : memref<1000000x32xf32, #tpu.memory_space<hbm>> -> memref<1000000x32xf32, #tpu.memory_space<hbm>>
    tpu.enqueue_indirect_dma source(%dma_start3A_15 : memref<1000000x32xf32, #tpu.memory_space<hbm>>) target(%arg7 : memref<128x32xf32, #tpu.memory_space<vmem>>) offsets(%dma_start3A_12 : memref<128xi32, #tpu.memory_space<vmem>>) semaphore(%arg15 : memref<!tpu.dma_semaphore, #tpu.memory_space<semaphore_mem>>)
    %dma_start3A_16 = arith.constant 0 : i32
    %dma_start3A_17 = arith.constant 256 : i32
    %dma_start3A_18 = tpu.memref_slice %arg5[%dma_start3A_16, %dma_start3A_17] : memref<50x512xi32, #tpu.memory_space<vmem>> -> memref<1x128xi32, #tpu.memory_space<vmem>>
    %dma_start3A_19 = tpu.memref_squeeze %dma_start3A_18 : memref<1x128xi32, #tpu.memory_space<vmem>> -> memref<128xi32, #tpu.memory_space<vmem>>
    %dma_start3A_20 = arith.constant 0 : i32
    %dma_start3A_21 = arith.constant 0 : i32
    %dma_start3A_22 = tpu.memref_slice %arg3[%dma_start3A_20, %dma_start3A_21] : memref<1000000x32xf32, #tpu.memory_space<hbm>> -> memref<1000000x32xf32, #tpu.memory_space<hbm>>
    tpu.enqueue_indirect_dma source(%dma_start3A_22 : memref<1000000x32xf32, #tpu.memory_space<hbm>>) target(%arg8 : memref<128x32xf32, #tpu.memory_space<vmem>>) offsets(%dma_start3A_19 : memref<128xi32, #tpu.memory_space<vmem>>) semaphore(%arg16 : memref<!tpu.dma_semaphore, #tpu.memory_space<semaphore_mem>>)
    %dma_start3A_23 = arith.constant 0 : i32
    %dma_start3A_24 = arith.constant 384 : i32
    %dma_start3A_25 = tpu.memref_slice %arg5[%dma_start3A_23, %dma_start3A_24] : memref<50x512xi32, #tpu.memory_space<vmem>> -> memref<1x128xi32, #tpu.memory_space<vmem>>
    %dma_start3A_26 = tpu.memref_squeeze %dma_start3A_25 : memref<1x128xi32, #tpu.memory_space<vmem>> -> memref<128xi32, #tpu.memory_space<vmem>>
    %dma_start3A_27 = arith.constant 0 : i32
    %dma_start3A_28 = arith.constant 0 : i32
    %dma_start3A_29 = tpu.memref_slice %arg3[%dma_start3A_27, %dma_start3A_28] : memref<1000000x32xf32, #tpu.memory_space<hbm>> -> memref<1000000x32xf32, #tpu.memory_space<hbm>>
    tpu.enqueue_indirect_dma source(%dma_start3A_29 : memref<1000000x32xf32, #tpu.memory_space<hbm>>) target(%arg9 : memref<128x32xf32, #tpu.memory_space<vmem>>) offsets(%dma_start3A_26 : memref<128xi32, #tpu.memory_space<vmem>>) semaphore(%arg17 : memref<!tpu.dma_semaphore, #tpu.memory_space<semaphore_mem>>)
    %dma_start3A_30 = arith.constant 1 : i32
    %dma_start3A_31 = arith.constant 0 : i32
    %dma_start3A_32 = tpu.memref_slice %arg5[%dma_start3A_30, %dma_start3A_31] : memref<50x512xi32, #tpu.memory_space<vmem>> -> memref<1x128xi32, #tpu.memory_space<vmem>>
    %dma_start3A_33 = tpu.memref_squeeze %dma_start3A_32 : memref<1x128xi32, #tpu.memory_space<vmem>> -> memref<128xi32, #tpu.memory_space<vmem>>
    %dma_start3A_34 = arith.constant 0 : i32
    %dma_start3A_35 = arith.constant 0 : i32
    %dma_start3A_36 = tpu.memref_slice %arg3[%dma_start3A_34, %dma_start3A_35] : memref<1000000x32xf32, #tpu.memory_space<hbm>> -> memref<1000000x32xf32, #tpu.memory_space<hbm>>
    tpu.enqueue_indirect_dma source(%dma_start3A_36 : memref<1000000x32xf32, #tpu.memory_space<hbm>>) target(%arg10 : memref<128x32xf32, #tpu.memory_space<vmem>>) offsets(%dma_start3A_33 : memref<128xi32, #tpu.memory_space<vmem>>) semaphore(%arg18 : memref<!tpu.dma_semaphore, #tpu.memory_space<semaphore_mem>>)
    %dma_start3A_37 = arith.constant 1 : i32
    %dma_start3A_38 = arith.constant 128 : i32
    %dma_start3A_39 = tpu.memref_slice %arg5[%dma_start3A_37, %dma_start3A_38] : memref<50x512xi32, #tpu.memory_space<vmem>> -> memref<1x128xi32, #tpu.memory_space<vmem>>
    %dma_start3A_40 = tpu.memref_squeeze %dma_start3A_39 : memref<1x128xi32, #tpu.memory_space<vmem>> -> memref<128xi32, #tpu.memory_space<vmem>>
    %dma_start3A_41 = arith.constant 0 : i32
    %dma_start3A_42 = arith.constant 0 : i32
    %dma_start3A_43 = tpu.memref_slice %arg3[%dma_start3A_41, %dma_start3A_42] : memref<1000000x32xf32, #tpu.memory_space<hbm>> -> memref<1000000x32xf32, #tpu.memory_space<hbm>>
    tpu.enqueue_indirect_dma source(%dma_start3A_43 : memref<1000000x32xf32, #tpu.memory_space<hbm>>) target(%arg11 : memref<128x32xf32, #tpu.memory_space<vmem>>) offsets(%dma_start3A_40 : memref<128xi32, #tpu.memory_space<vmem>>) semaphore(%arg19 : memref<!tpu.dma_semaphore, #tpu.memory_space<semaphore_mem>>)
    %dma_start3A_44 = arith.constant 1 : i32
    %dma_start3A_45 = arith.constant 256 : i32
    %dma_start3A_46 = tpu.memref_slice %arg5[%dma_start3A_44, %dma_start3A_45] : memref<50x512xi32, #tpu.memory_space<vmem>> -> memref<1x128xi32, #tpu.memory_space<vmem>>
    %dma_start3A_47 = tpu.memref_squeeze %dma_start3A_46 : memref<1x128xi32, #tpu.memory_space<vmem>> -> memref<128xi32, #tpu.memory_space<vmem>>
    %dma_start3A_48 = arith.constant 0 : i32
    %dma_start3A_49 = arith.constant 0 : i32
    %dma_start3A_50 = tpu.memref_slice %arg3[%dma_start3A_48, %dma_start3A_49] : memref<1000000x32xf32, #tpu.memory_space<hbm>> -> memref<1000000x32xf32, #tpu.memory_space<hbm>>
    tpu.enqueue_indirect_dma source(%dma_start3A_50 : memref<1000000x32xf32, #tpu.memory_space<hbm>>) target(%arg12 : memref<128x32xf32, #tpu.memory_space<vmem>>) offsets(%dma_start3A_47 : memref<128xi32, #tpu.memory_space<vmem>>) semaphore(%arg20 : memref<!tpu.dma_semaphore, #tpu.memory_space<semaphore_mem>>)
    %dma_start3A_51 = arith.constant 1 : i32
    %dma_start3A_52 = arith.constant 384 : i32
    %dma_start3A_53 = tpu.memref_slice %arg5[%dma_start3A_51, %dma_start3A_52] : memref<50x512xi32, #tpu.memory_space<vmem>> -> memref<1x128xi32, #tpu.memory_space<vmem>>
    %dma_start3A_54 = tpu.memref_squeeze %dma_start3A_53 : memref<1x128xi32, #tpu.memory_space<vmem>> -> memref<128xi32, #tpu.memory_space<vmem>>
    %dma_start3A_55 = arith.constant 0 : i32
    %dma_start3A_56 = arith.constant 0 : i32
    %dma_start3A_57 = tpu.memref_slice %arg3[%dma_start3A_55, %dma_start3A_56] : memref<1000000x32xf32, #tpu.memory_space<hbm>> -> memref<1000000x32xf32, #tpu.memory_space<hbm>>
    tpu.enqueue_indirect_dma source(%dma_start3A_57 : memref<1000000x32xf32, #tpu.memory_space<hbm>>) target(%arg13 : memref<128x32xf32, #tpu.memory_space<vmem>>) offsets(%dma_start3A_54 : memref<128xi32, #tpu.memory_space<vmem>>) semaphore(%arg21 : memref<!tpu.dma_semaphore, #tpu.memory_space<semaphore_mem>>)
    %scan3A = arith.constant 0 : i32
    %scan3A_58 = arith.constant 25 : i32
    %scan3A_59 = arith.addi %scan3A, %scan3A_58 : i32
    %scan3A_60 = arith.constant 1 : i32
    scf.for %scan3A_62 = %scan3A to %scan3A_59 step %scan3A_60  : i32 {
      %mul3A_63 = arith.constant 8 : i32
      %mul3A_64 = arith.muli %scan3A_62, %mul3A_63 : i32
      %add3A_65 = arith.constant 0 : i32
      %add3A_66 = arith.addi %mul3A_64, %add3A_65 : i32
      %jit3A = arith.constant 4 : i32
      %div3A = arith.divsi %add3A_66, %jit3A : i32
      %sign3A = arith.constant 0 : i32
      %sign3A_67 = arith.cmpi sgt, %add3A_66, %sign3A : i32
      %sign3A_68 = arith.extui %sign3A_67 : i1 to i32
      %sign3A_69 = arith.constant 0 : i32
      %sign3A_70 = arith.cmpi slt, %add3A_66, %sign3A_69 : i32
      %sign3A_71 = arith.extui %sign3A_70 : i1 to i32
      %sign3A_72 = arith.subi %sign3A_68, %sign3A_71 : i32
      %sign3A_73 = arith.constant 0 : i32
      %sign3A_74 = arith.cmpi sgt, %jit3A, %sign3A_73 : i32
      %sign3A_75 = arith.extui %sign3A_74 : i1 to i32
      %sign3A_76 = arith.constant 0 : i32
      %sign3A_77 = arith.cmpi slt, %jit3A, %sign3A_76 : i32
      %sign3A_78 = arith.extui %sign3A_77 : i1 to i32
      %sign3A_79 = arith.subi %sign3A_75, %sign3A_78 : i32
      %ne3A = arith.cmpi ne, %sign3A_72, %sign3A_79 : i32
      %rem3A = arith.remsi %add3A_66, %jit3A : i32
      %ne3A_80 = arith.constant 0 : i32
      %ne3A_81 = arith.cmpi ne, %rem3A, %ne3A_80 : i32
      %and3A = arith.andi %ne3A, %ne3A_81 : i1
      %sub3A = arith.constant 1 : i32
      %sub3A_82 = arith.subi %div3A, %sub3A : i32
      %select_n3A = arith.select %and3A, %sub3A_82, %div3A : i32
      %mul3A_83 = arith.constant 4 : i32
      %mul3A_84 = arith.muli %select_n3A, %mul3A_83 : i32
      %sub3A_85 = arith.subi %add3A_66, %mul3A_84 : i32
      %jit3A_86 = arith.constant 4 : i32
      %div3A_87 = arith.divsi %add3A_66, %jit3A_86 : i32
      %sign3A_88 = arith.constant 0 : i32
      %sign3A_89 = arith.cmpi sgt, %add3A_66, %sign3A_88 : i32
      %sign3A_90 = arith.extui %sign3A_89 : i1 to i32
      %sign3A_91 = arith.constant 0 : i32
      %sign3A_92 = arith.cmpi slt, %add3A_66, %sign3A_91 : i32
      %sign3A_93 = arith.extui %sign3A_92 : i1 to i32
      %sign3A_94 = arith.subi %sign3A_90, %sign3A_93 : i32
      %sign3A_95 = arith.constant 0 : i32
      %sign3A_96 = arith.cmpi sgt, %jit3A_86, %sign3A_95 : i32
      %sign3A_97 = arith.extui %sign3A_96 : i1 to i32
      %sign3A_98 = arith.constant 0 : i32
      %sign3A_99 = arith.cmpi slt, %jit3A_86, %sign3A_98 : i32
      %sign3A_100 = arith.extui %sign3A_99 : i1 to i32
      %sign3A_101 = arith.subi %sign3A_97, %sign3A_100 : i32
      %ne3A_102 = arith.cmpi ne, %sign3A_94, %sign3A_101 : i32
      %rem3A_103 = arith.remsi %add3A_66, %jit3A_86 : i32
      %ne3A_104 = arith.constant 0 : i32
      %ne3A_105 = arith.cmpi ne, %rem3A_103, %ne3A_104 : i32
      %and3A_106 = arith.andi %ne3A_102, %ne3A_105 : i1
      %sub3A_107 = arith.constant 1 : i32
      %sub3A_108 = arith.subi %div3A_87, %sub3A_107 : i32
      %select_n3A_109 = arith.select %and3A_106, %sub3A_108, %div3A_87 : i32
      %mul3A_110 = arith.constant 4 : i32
      %mul3A_111 = arith.muli %select_n3A_109, %mul3A_110 : i32
      %sub3A_112 = arith.subi %add3A_66, %mul3A_111 : i32
      %mul3A_113 = arith.constant 128 : i32
      %mul3A_114 = arith.muli %sub3A_112, %mul3A_113 : i32
      %dma_wait3A = tpu.memref_slice %arg5[%select_n3A_109, %mul3A_114] : memref<50x512xi32, #tpu.memory_space<vmem>> -> memref<1x128xi32, #tpu.memory_space<vmem>>
      %dma_wait3A_115 = tpu.memref_squeeze %dma_wait3A : memref<1x128xi32, #tpu.memory_space<vmem>> -> memref<128xi32, #tpu.memory_space<vmem>>
      %dma_wait3A_116 = arith.constant 0 : i32
      %dma_wait3A_117 = arith.constant 0 : i32
      %dma_wait3A_118 = tpu.memref_slice %arg3[%dma_wait3A_116, %dma_wait3A_117] : memref<1000000x32xf32, #tpu.memory_space<hbm>> -> memref<1000000x32xf32, #tpu.memory_space<hbm>>
      tpu.wait_indirect_dma semaphore(%arg14 : memref<!tpu.dma_semaphore, #tpu.memory_space<semaphore_mem>>) src(%dma_wait3A_118 : memref<1000000x32xf32, #tpu.memory_space<hbm>>) dst(%arg6 : memref<128x32xf32, #tpu.memory_space<vmem>>)
      %mul3A_119 = arith.constant 128 : i32
      %mul3A_120 = arith.muli %sub3A_85, %mul3A_119 : i32
      %add3A_121 = arith.addi %mul3A_2, %mul3A_120 : i32
      "tpu.region"() ({
        %run_scoped3A = tpu.sem_alloc : memref<!tpu.dma_semaphore, #tpu.memory_space<semaphore_mem>>
        %dma_start3A_637 = arith.constant 0 : i32
        %dma_start3A_638 = tpu.memref_slice %arg4[%add3A_121, %select_n3A, %dma_start3A_637] : memref<16384x56x32xf32, #tpu.memory_space<hbm>> -> memref<128x1x32xf32, #tpu.memory_space<hbm>>
        %dma_start3A_639 = tpu.memref_squeeze %dma_start3A_638 : memref<128x1x32xf32, #tpu.memory_space<hbm>> -> memref<128x32xf32, #tpu.memory_space<hbm>>
        %dma_start3A_640 = arith.constant 0 : i32
        %dma_start3A_641 = tpu.memref_slice %arg4[%add3A_121, %select_n3A, %dma_start3A_640] : memref<16384x56x32xf32, #tpu.memory_space<hbm>> -> memref<128x1x32xf32, #tpu.memory_space<hbm>>
        %dma_start3A_642 = tpu.memref_squeeze %dma_start3A_641 : memref<128x1x32xf32, #tpu.memory_space<hbm>> -> memref<128x32xf32, #tpu.memory_space<hbm>>
        tpu.enqueue_dma source(%arg6 : memref<128x32xf32, #tpu.memory_space<vmem>>) target(%dma_start3A_642 : memref<128x32xf32, #tpu.memory_space<hbm>>) target_semaphore(%run_scoped3A : memref<!tpu.dma_semaphore, #tpu.memory_space<semaphore_mem>>)
        %dma_wait3A_643 = arith.constant 0 : i32
        %dma_wait3A_644 = tpu.memref_slice %arg4[%add3A_121, %select_n3A, %dma_wait3A_643] : memref<16384x56x32xf32, #tpu.memory_space<hbm>> -> memref<128x1x32xf32, #tpu.memory_space<hbm>>
        %dma_wait3A_645 = tpu.memref_squeeze %dma_wait3A_644 : memref<128x1x32xf32, #tpu.memory_space<hbm>> -> memref<128x32xf32, #tpu.memory_space<hbm>>
        %dma_wait3A_646 = arith.constant 0 : i32
        %dma_wait3A_647 = tpu.memref_slice %arg4[%add3A_121, %select_n3A, %dma_wait3A_646] : memref<16384x56x32xf32, #tpu.memory_space<hbm>> -> memref<128x1x32xf32, #tpu.memory_space<hbm>>
        %dma_wait3A_648 = tpu.memref_squeeze %dma_wait3A_647 : memref<128x1x32xf32, #tpu.memory_space<hbm>> -> memref<128x32xf32, #tpu.memory_space<hbm>>
        tpu.wait_dma2 semaphore(%run_scoped3A : memref<!tpu.dma_semaphore, #tpu.memory_space<semaphore_mem>>) src(%arg6 : memref<128x32xf32, #tpu.memory_space<vmem>>) dst(%dma_wait3A_648 : memref<128x32xf32, #tpu.memory_space<hbm>>)
        tpu.yield
      }) : () -> ()
      %add3A_122 = arith.constant 8 : i32
      %add3A_123 = arith.addi %add3A_66, %add3A_122 : i32
      %lt3A = arith.constant 200 : i32
      %lt3A_124 = arith.cmpi slt, %add3A_123, %lt3A : i32
      %convert_element_type3A = arith.extui %lt3A_124 : i1 to i32
      %cond3A = arith.constant 0 : i32
      %cond3A_125 = arith.cmpi ne, %convert_element_type3A, %cond3A : i32
      scf.if %cond3A_125 {
        %jit3A_637 = arith.constant 4 : i32
        %div3A_638 = arith.divsi %add3A_123, %jit3A_637 : i32
        %sign3A_639 = arith.constant 0 : i32
        %sign3A_640 = arith.cmpi sgt, %add3A_123, %sign3A_639 : i32
        %sign3A_641 = arith.extui %sign3A_640 : i1 to i32
        %sign3A_642 = arith.constant 0 : i32
        %sign3A_643 = arith.cmpi slt, %add3A_123, %sign3A_642 : i32
        %sign3A_644 = arith.extui %sign3A_643 : i1 to i32
        %sign3A_645 = arith.subi %sign3A_641, %sign3A_644 : i32
        %sign3A_646 = arith.constant 0 : i32
        %sign3A_647 = arith.cmpi sgt, %jit3A_637, %sign3A_646 : i32
        %sign3A_648 = arith.extui %sign3A_647 : i1 to i32
        %sign3A_649 = arith.constant 0 : i32
        %sign3A_650 = arith.cmpi slt, %jit3A_637, %sign3A_649 : i32
        %sign3A_651 = arith.extui %sign3A_650 : i1 to i32
        %sign3A_652 = arith.subi %sign3A_648, %sign3A_651 : i32
        %ne3A_653 = arith.cmpi ne, %sign3A_645, %sign3A_652 : i32
        %rem3A_654 = arith.remsi %add3A_123, %jit3A_637 : i32
        %ne3A_655 = arith.constant 0 : i32
        %ne3A_656 = arith.cmpi ne, %rem3A_654, %ne3A_655 : i32
        %and3A_657 = arith.andi %ne3A_653, %ne3A_656 : i1
        %sub3A_658 = arith.constant 1 : i32
        %sub3A_659 = arith.subi %div3A_638, %sub3A_658 : i32
        %select_n3A_660 = arith.select %and3A_657, %sub3A_659, %div3A_638 : i32
        %mul3A_661 = arith.constant 4 : i32
        %mul3A_662 = arith.muli %select_n3A_660, %mul3A_661 : i32
        %sub3A_663 = arith.subi %add3A_123, %mul3A_662 : i32
        %mul3A_664 = arith.constant 128 : i32
        %mul3A_665 = arith.muli %sub3A_663, %mul3A_664 : i32
        %dma_start3A_666 = tpu.memref_slice %arg5[%select_n3A_660, %mul3A_665] : memref<50x512xi32, #tpu.memory_space<vmem>> -> memref<1x128xi32, #tpu.memory_space<vmem>>
        %dma_start3A_667 = tpu.memref_squeeze %dma_start3A_666 : memref<1x128xi32, #tpu.memory_space<vmem>> -> memref<128xi32, #tpu.memory_space<vmem>>
        %dma_start3A_668 = arith.constant 0 : i32
        %dma_start3A_669 = arith.constant 0 : i32
        %dma_start3A_670 = tpu.memref_slice %arg3[%dma_start3A_668, %dma_start3A_669] : memref<1000000x32xf32, #tpu.memory_space<hbm>> -> memref<1000000x32xf32, #tpu.memory_space<hbm>>
        tpu.enqueue_indirect_dma source(%dma_start3A_670 : memref<1000000x32xf32, #tpu.memory_space<hbm>>) target(%arg6 : memref<128x32xf32, #tpu.memory_space<vmem>>) offsets(%dma_start3A_667 : memref<128xi32, #tpu.memory_space<vmem>>) semaphore(%arg14 : memref<!tpu.dma_semaphore, #tpu.memory_space<semaphore_mem>>)
      } else {
      }
      %add3A_126 = arith.constant 1 : i32
      %add3A_127 = arith.addi %mul3A_64, %add3A_126 : i32
      %jit3A_128 = arith.constant 4 : i32
      %div3A_129 = arith.divsi %add3A_127, %jit3A_128 : i32
      %sign3A_130 = arith.constant 0 : i32
      %sign3A_131 = arith.cmpi sgt, %add3A_127, %sign3A_130 : i32
      %sign3A_132 = arith.extui %sign3A_131 : i1 to i32
      %sign3A_133 = arith.constant 0 : i32
      %sign3A_134 = arith.cmpi slt, %add3A_127, %sign3A_133 : i32
      %sign3A_135 = arith.extui %sign3A_134 : i1 to i32
      %sign3A_136 = arith.subi %sign3A_132, %sign3A_135 : i32
      %sign3A_137 = arith.constant 0 : i32
      %sign3A_138 = arith.cmpi sgt, %jit3A_128, %sign3A_137 : i32
      %sign3A_139 = arith.extui %sign3A_138 : i1 to i32
      %sign3A_140 = arith.constant 0 : i32
      %sign3A_141 = arith.cmpi slt, %jit3A_128, %sign3A_140 : i32
      %sign3A_142 = arith.extui %sign3A_141 : i1 to i32
      %sign3A_143 = arith.subi %sign3A_139, %sign3A_142 : i32
      %ne3A_144 = arith.cmpi ne, %sign3A_136, %sign3A_143 : i32
      %rem3A_145 = arith.remsi %add3A_127, %jit3A_128 : i32
      %ne3A_146 = arith.constant 0 : i32
      %ne3A_147 = arith.cmpi ne, %rem3A_145, %ne3A_146 : i32
      %and3A_148 = arith.andi %ne3A_144, %ne3A_147 : i1
      %sub3A_149 = arith.constant 1 : i32
      %sub3A_150 = arith.subi %div3A_129, %sub3A_149 : i32
      %select_n3A_151 = arith.select %and3A_148, %sub3A_150, %div3A_129 : i32
      %mul3A_152 = arith.constant 4 : i32
      %mul3A_153 = arith.muli %select_n3A_151, %mul3A_152 : i32
      %sub3A_154 = arith.subi %add3A_127, %mul3A_153 : i32
      %jit3A_155 = arith.constant 4 : i32
      %div3A_156 = arith.divsi %add3A_127, %jit3A_155 : i32
      %sign3A_157 = arith.constant 0 : i32
      %sign3A_158 = arith.cmpi sgt, %add3A_127, %sign3A_157 : i32
      %sign3A_159 = arith.extui %sign3A_158 : i1 to i32
      %sign3A_160 = arith.constant 0 : i32
      %sign3A_161 = arith.cmpi slt, %add3A_127, %sign3A_160 : i32
      %sign3A_162 = arith.extui %sign3A_161 : i1 to i32
      %sign3A_163 = arith.subi %sign3A_159, %sign3A_162 : i32
      %sign3A_164 = arith.constant 0 : i32
      %sign3A_165 = arith.cmpi sgt, %jit3A_155, %sign3A_164 : i32
      %sign3A_166 = arith.extui %sign3A_165 : i1 to i32
      %sign3A_167 = arith.constant 0 : i32
      %sign3A_168 = arith.cmpi slt, %jit3A_155, %sign3A_167 : i32
      %sign3A_169 = arith.extui %sign3A_168 : i1 to i32
      %sign3A_170 = arith.subi %sign3A_166, %sign3A_169 : i32
      %ne3A_171 = arith.cmpi ne, %sign3A_163, %sign3A_170 : i32
      %rem3A_172 = arith.remsi %add3A_127, %jit3A_155 : i32
      %ne3A_173 = arith.constant 0 : i32
      %ne3A_174 = arith.cmpi ne, %rem3A_172, %ne3A_173 : i32
      %and3A_175 = arith.andi %ne3A_171, %ne3A_174 : i1
      %sub3A_176 = arith.constant 1 : i32
      %sub3A_177 = arith.subi %div3A_156, %sub3A_176 : i32
      %select_n3A_178 = arith.select %and3A_175, %sub3A_177, %div3A_156 : i32
      %mul3A_179 = arith.constant 4 : i32
      %mul3A_180 = arith.muli %select_n3A_178, %mul3A_179 : i32
      %sub3A_181 = arith.subi %add3A_127, %mul3A_180 : i32
      %mul3A_182 = arith.constant 128 : i32
      %mul3A_183 = arith.muli %sub3A_181, %mul3A_182 : i32
      %dma_wait3A_184 = tpu.memref_slice %arg5[%select_n3A_178, %mul3A_183] : memref<50x512xi32, #tpu.memory_space<vmem>> -> memref<1x128xi32, #tpu.memory_space<vmem>>
      %dma_wait3A_185 = tpu.memref_squeeze %dma_wait3A_184 : memref<1x128xi32, #tpu.memory_space<vmem>> -> memref<128xi32, #tpu.memory_space<vmem>>
      %dma_wait3A_186 = arith.constant 0 : i32
      %dma_wait3A_187 = arith.constant 0 : i32
      %dma_wait3A_188 = tpu.memref_slice %arg3[%dma_wait3A_186, %dma_wait3A_187] : memref<1000000x32xf32, #tpu.memory_space<hbm>> -> memref<1000000x32xf32, #tpu.memory_space<hbm>>
      tpu.wait_indirect_dma semaphore(%arg15 : memref<!tpu.dma_semaphore, #tpu.memory_space<semaphore_mem>>) src(%dma_wait3A_188 : memref<1000000x32xf32, #tpu.memory_space<hbm>>) dst(%arg7 : memref<128x32xf32, #tpu.memory_space<vmem>>)
      %mul3A_189 = arith.constant 128 : i32
      %mul3A_190 = arith.muli %sub3A_154, %mul3A_189 : i32
      %add3A_191 = arith.addi %mul3A_2, %mul3A_190 : i32
      "tpu.region"() ({
        %run_scoped3A = tpu.sem_alloc : memref<!tpu.dma_semaphore, #tpu.memory_space<semaphore_mem>>
        %dma_start3A_637 = arith.constant 0 : i32
        %dma_start3A_638 = tpu.memref_slice %arg4[%add3A_191, %select_n3A_151, %dma_start3A_637] : memref<16384x56x32xf32, #tpu.memory_space<hbm>> -> memref<128x1x32xf32, #tpu.memory_space<hbm>>
        %dma_start3A_639 = tpu.memref_squeeze %dma_start3A_638 : memref<128x1x32xf32, #tpu.memory_space<hbm>> -> memref<128x32xf32, #tpu.memory_space<hbm>>
        %dma_start3A_640 = arith.constant 0 : i32
        %dma_start3A_641 = tpu.memref_slice %arg4[%add3A_191, %select_n3A_151, %dma_start3A_640] : memref<16384x56x32xf32, #tpu.memory_space<hbm>> -> memref<128x1x32xf32, #tpu.memory_space<hbm>>
        %dma_start3A_642 = tpu.memref_squeeze %dma_start3A_641 : memref<128x1x32xf32, #tpu.memory_space<hbm>> -> memref<128x32xf32, #tpu.memory_space<hbm>>
        tpu.enqueue_dma source(%arg7 : memref<128x32xf32, #tpu.memory_space<vmem>>) target(%dma_start3A_642 : memref<128x32xf32, #tpu.memory_space<hbm>>) target_semaphore(%run_scoped3A : memref<!tpu.dma_semaphore, #tpu.memory_space<semaphore_mem>>)
        %dma_wait3A_643 = arith.constant 0 : i32
        %dma_wait3A_644 = tpu.memref_slice %arg4[%add3A_191, %select_n3A_151, %dma_wait3A_643] : memref<16384x56x32xf32, #tpu.memory_space<hbm>> -> memref<128x1x32xf32, #tpu.memory_space<hbm>>
        %dma_wait3A_645 = tpu.memref_squeeze %dma_wait3A_644 : memref<128x1x32xf32, #tpu.memory_space<hbm>> -> memref<128x32xf32, #tpu.memory_space<hbm>>
        %dma_wait3A_646 = arith.constant 0 : i32
        %dma_wait3A_647 = tpu.memref_slice %arg4[%add3A_191, %select_n3A_151, %dma_wait3A_646] : memref<16384x56x32xf32, #tpu.memory_space<hbm>> -> memref<128x1x32xf32, #tpu.memory_space<hbm>>
        %dma_wait3A_648 = tpu.memref_squeeze %dma_wait3A_647 : memref<128x1x32xf32, #tpu.memory_space<hbm>> -> memref<128x32xf32, #tpu.memory_space<hbm>>
        tpu.wait_dma2 semaphore(%run_scoped3A : memref<!tpu.dma_semaphore, #tpu.memory_space<semaphore_mem>>) src(%arg7 : memref<128x32xf32, #tpu.memory_space<vmem>>) dst(%dma_wait3A_648 : memref<128x32xf32, #tpu.memory_space<hbm>>)
        tpu.yield
      }) : () -> ()
      %add3A_192 = arith.constant 8 : i32
      %add3A_193 = arith.addi %add3A_127, %add3A_192 : i32
      %lt3A_194 = arith.constant 200 : i32
      %lt3A_195 = arith.cmpi slt, %add3A_193, %lt3A_194 : i32
      %convert_element_type3A_196 = arith.extui %lt3A_195 : i1 to i32
      %cond3A_197 = arith.constant 0 : i32
      %cond3A_198 = arith.cmpi ne, %convert_element_type3A_196, %cond3A_197 : i32
      scf.if %cond3A_198 {
        %jit3A_637 = arith.constant 4 : i32
        %div3A_638 = arith.divsi %add3A_193, %jit3A_637 : i32
        %sign3A_639 = arith.constant 0 : i32
        %sign3A_640 = arith.cmpi sgt, %add3A_193, %sign3A_639 : i32
        %sign3A_641 = arith.extui %sign3A_640 : i1 to i32
        %sign3A_642 = arith.constant 0 : i32
        %sign3A_643 = arith.cmpi slt, %add3A_193, %sign3A_642 : i32
        %sign3A_644 = arith.extui %sign3A_643 : i1 to i32
        %sign3A_645 = arith.subi %sign3A_641, %sign3A_644 : i32
        %sign3A_646 = arith.constant 0 : i32
        %sign3A_647 = arith.cmpi sgt, %jit3A_637, %sign3A_646 : i32
        %sign3A_648 = arith.extui %sign3A_647 : i1 to i32
        %sign3A_649 = arith.constant 0 : i32
        %sign3A_650 = arith.cmpi slt, %jit3A_637, %sign3A_649 : i32
        %sign3A_651 = arith.extui %sign3A_650 : i1 to i32
        %sign3A_652 = arith.subi %sign3A_648, %sign3A_651 : i32
        %ne3A_653 = arith.cmpi ne, %sign3A_645, %sign3A_652 : i32
        %rem3A_654 = arith.remsi %add3A_193, %jit3A_637 : i32
        %ne3A_655 = arith.constant 0 : i32
        %ne3A_656 = arith.cmpi ne, %rem3A_654, %ne3A_655 : i32
        %and3A_657 = arith.andi %ne3A_653, %ne3A_656 : i1
        %sub3A_658 = arith.constant 1 : i32
        %sub3A_659 = arith.subi %div3A_638, %sub3A_658 : i32
        %select_n3A_660 = arith.select %and3A_657, %sub3A_659, %div3A_638 : i32
        %mul3A_661 = arith.constant 4 : i32
        %mul3A_662 = arith.muli %select_n3A_660, %mul3A_661 : i32
        %sub3A_663 = arith.subi %add3A_193, %mul3A_662 : i32
        %mul3A_664 = arith.constant 128 : i32
        %mul3A_665 = arith.muli %sub3A_663, %mul3A_664 : i32
        %dma_start3A_666 = tpu.memref_slice %arg5[%select_n3A_660, %mul3A_665] : memref<50x512xi32, #tpu.memory_space<vmem>> -> memref<1x128xi32, #tpu.memory_space<vmem>>
        %dma_start3A_667 = tpu.memref_squeeze %dma_start3A_666 : memref<1x128xi32, #tpu.memory_space<vmem>> -> memref<128xi32, #tpu.memory_space<vmem>>
        %dma_start3A_668 = arith.constant 0 : i32
        %dma_start3A_669 = arith.constant 0 : i32
        %dma_start3A_670 = tpu.memref_slice %arg3[%dma_start3A_668, %dma_start3A_669] : memref<1000000x32xf32, #tpu.memory_space<hbm>> -> memref<1000000x32xf32, #tpu.memory_space<hbm>>
        tpu.enqueue_indirect_dma source(%dma_start3A_670 : memref<1000000x32xf32, #tpu.memory_space<hbm>>) target(%arg7 : memref<128x32xf32, #tpu.memory_space<vmem>>) offsets(%dma_start3A_667 : memref<128xi32, #tpu.memory_space<vmem>>) semaphore(%arg15 : memref<!tpu.dma_semaphore, #tpu.memory_space<semaphore_mem>>)
      } else {
      }
      %add3A_199 = arith.constant 2 : i32
      %add3A_200 = arith.addi %mul3A_64, %add3A_199 : i32
      %jit3A_201 = arith.constant 4 : i32
      %div3A_202 = arith.divsi %add3A_200, %jit3A_201 : i32
      %sign3A_203 = arith.constant 0 : i32
      %sign3A_204 = arith.cmpi sgt, %add3A_200, %sign3A_203 : i32
      %sign3A_205 = arith.extui %sign3A_204 : i1 to i32
      %sign3A_206 = arith.constant 0 : i32
      %sign3A_207 = arith.cmpi slt, %add3A_200, %sign3A_206 : i32
      %sign3A_208 = arith.extui %sign3A_207 : i1 to i32
      %sign3A_209 = arith.subi %sign3A_205, %sign3A_208 : i32
      %sign3A_210 = arith.constant 0 : i32
      %sign3A_211 = arith.cmpi sgt, %jit3A_201, %sign3A_210 : i32
      %sign3A_212 = arith.extui %sign3A_211 : i1 to i32
      %sign3A_213 = arith.constant 0 : i32
      %sign3A_214 = arith.cmpi slt, %jit3A_201, %sign3A_213 : i32
      %sign3A_215 = arith.extui %sign3A_214 : i1 to i32
      %sign3A_216 = arith.subi %sign3A_212, %sign3A_215 : i32
      %ne3A_217 = arith.cmpi ne, %sign3A_209, %sign3A_216 : i32
      %rem3A_218 = arith.remsi %add3A_200, %jit3A_201 : i32
      %ne3A_219 = arith.constant 0 : i32
      %ne3A_220 = arith.cmpi ne, %rem3A_218, %ne3A_219 : i32
      %and3A_221 = arith.andi %ne3A_217, %ne3A_220 : i1
      %sub3A_222 = arith.constant 1 : i32
      %sub3A_223 = arith.subi %div3A_202, %sub3A_222 : i32
      %select_n3A_224 = arith.select %and3A_221, %sub3A_223, %div3A_202 : i32
      %mul3A_225 = arith.constant 4 : i32
      %mul3A_226 = arith.muli %select_n3A_224, %mul3A_225 : i32
      %sub3A_227 = arith.subi %add3A_200, %mul3A_226 : i32
      %jit3A_228 = arith.constant 4 : i32
      %div3A_229 = arith.divsi %add3A_200, %jit3A_228 : i32
      %sign3A_230 = arith.constant 0 : i32
      %sign3A_231 = arith.cmpi sgt, %add3A_200, %sign3A_230 : i32
      %sign3A_232 = arith.extui %sign3A_231 : i1 to i32
      %sign3A_233 = arith.constant 0 : i32
      %sign3A_234 = arith.cmpi slt, %add3A_200, %sign3A_233 : i32
      %sign3A_235 = arith.extui %sign3A_234 : i1 to i32
      %sign3A_236 = arith.subi %sign3A_232, %sign3A_235 : i32
      %sign3A_237 = arith.constant 0 : i32
      %sign3A_238 = arith.cmpi sgt, %jit3A_228, %sign3A_237 : i32
      %sign3A_239 = arith.extui %sign3A_238 : i1 to i32
      %sign3A_240 = arith.constant 0 : i32
      %sign3A_241 = arith.cmpi slt, %jit3A_228, %sign3A_240 : i32
      %sign3A_242 = arith.extui %sign3A_241 : i1 to i32
      %sign3A_243 = arith.subi %sign3A_239, %sign3A_242 : i32
      %ne3A_244 = arith.cmpi ne, %sign3A_236, %sign3A_243 : i32
      %rem3A_245 = arith.remsi %add3A_200, %jit3A_228 : i32
      %ne3A_246 = arith.constant 0 : i32
      %ne3A_247 = arith.cmpi ne, %rem3A_245, %ne3A_246 : i32
      %and3A_248 = arith.andi %ne3A_244, %ne3A_247 : i1
      %sub3A_249 = arith.constant 1 : i32
      %sub3A_250 = arith.subi %div3A_229, %sub3A_249 : i32
      %select_n3A_251 = arith.select %and3A_248, %sub3A_250, %div3A_229 : i32
      %mul3A_252 = arith.constant 4 : i32
      %mul3A_253 = arith.muli %select_n3A_251, %mul3A_252 : i32
      %sub3A_254 = arith.subi %add3A_200, %mul3A_253 : i32
      %mul3A_255 = arith.constant 128 : i32
      %mul3A_256 = arith.muli %sub3A_254, %mul3A_255 : i32
      %dma_wait3A_257 = tpu.memref_slice %arg5[%select_n3A_251, %mul3A_256] : memref<50x512xi32, #tpu.memory_space<vmem>> -> memref<1x128xi32, #tpu.memory_space<vmem>>
      %dma_wait3A_258 = tpu.memref_squeeze %dma_wait3A_257 : memref<1x128xi32, #tpu.memory_space<vmem>> -> memref<128xi32, #tpu.memory_space<vmem>>
      %dma_wait3A_259 = arith.constant 0 : i32
      %dma_wait3A_260 = arith.constant 0 : i32
      %dma_wait3A_261 = tpu.memref_slice %arg3[%dma_wait3A_259, %dma_wait3A_260] : memref<1000000x32xf32, #tpu.memory_space<hbm>> -> memref<1000000x32xf32, #tpu.memory_space<hbm>>
      tpu.wait_indirect_dma semaphore(%arg16 : memref<!tpu.dma_semaphore, #tpu.memory_space<semaphore_mem>>) src(%dma_wait3A_261 : memref<1000000x32xf32, #tpu.memory_space<hbm>>) dst(%arg8 : memref<128x32xf32, #tpu.memory_space<vmem>>)
      %mul3A_262 = arith.constant 128 : i32
      %mul3A_263 = arith.muli %sub3A_227, %mul3A_262 : i32
      %add3A_264 = arith.addi %mul3A_2, %mul3A_263 : i32
      "tpu.region"() ({
        %run_scoped3A = tpu.sem_alloc : memref<!tpu.dma_semaphore, #tpu.memory_space<semaphore_mem>>
        %dma_start3A_637 = arith.constant 0 : i32
        %dma_start3A_638 = tpu.memref_slice %arg4[%add3A_264, %select_n3A_224, %dma_start3A_637] : memref<16384x56x32xf32, #tpu.memory_space<hbm>> -> memref<128x1x32xf32, #tpu.memory_space<hbm>>
        %dma_start3A_639 = tpu.memref_squeeze %dma_start3A_638 : memref<128x1x32xf32, #tpu.memory_space<hbm>> -> memref<128x32xf32, #tpu.memory_space<hbm>>
        %dma_start3A_640 = arith.constant 0 : i32
        %dma_start3A_641 = tpu.memref_slice %arg4[%add3A_264, %select_n3A_224, %dma_start3A_640] : memref<16384x56x32xf32, #tpu.memory_space<hbm>> -> memref<128x1x32xf32, #tpu.memory_space<hbm>>
        %dma_start3A_642 = tpu.memref_squeeze %dma_start3A_641 : memref<128x1x32xf32, #tpu.memory_space<hbm>> -> memref<128x32xf32, #tpu.memory_space<hbm>>
        tpu.enqueue_dma source(%arg8 : memref<128x32xf32, #tpu.memory_space<vmem>>) target(%dma_start3A_642 : memref<128x32xf32, #tpu.memory_space<hbm>>) target_semaphore(%run_scoped3A : memref<!tpu.dma_semaphore, #tpu.memory_space<semaphore_mem>>)
        %dma_wait3A_643 = arith.constant 0 : i32
        %dma_wait3A_644 = tpu.memref_slice %arg4[%add3A_264, %select_n3A_224, %dma_wait3A_643] : memref<16384x56x32xf32, #tpu.memory_space<hbm>> -> memref<128x1x32xf32, #tpu.memory_space<hbm>>
        %dma_wait3A_645 = tpu.memref_squeeze %dma_wait3A_644 : memref<128x1x32xf32, #tpu.memory_space<hbm>> -> memref<128x32xf32, #tpu.memory_space<hbm>>
        %dma_wait3A_646 = arith.constant 0 : i32
        %dma_wait3A_647 = tpu.memref_slice %arg4[%add3A_264, %select_n3A_224, %dma_wait3A_646] : memref<16384x56x32xf32, #tpu.memory_space<hbm>> -> memref<128x1x32xf32, #tpu.memory_space<hbm>>
        %dma_wait3A_648 = tpu.memref_squeeze %dma_wait3A_647 : memref<128x1x32xf32, #tpu.memory_space<hbm>> -> memref<128x32xf32, #tpu.memory_space<hbm>>
        tpu.wait_dma2 semaphore(%run_scoped3A : memref<!tpu.dma_semaphore, #tpu.memory_space<semaphore_mem>>) src(%arg8 : memref<128x32xf32, #tpu.memory_space<vmem>>) dst(%dma_wait3A_648 : memref<128x32xf32, #tpu.memory_space<hbm>>)
        tpu.yield
      }) : () -> ()
      %add3A_265 = arith.constant 8 : i32
      %add3A_266 = arith.addi %add3A_200, %add3A_265 : i32
      %lt3A_267 = arith.constant 200 : i32
      %lt3A_268 = arith.cmpi slt, %add3A_266, %lt3A_267 : i32
      %convert_element_type3A_269 = arith.extui %lt3A_268 : i1 to i32
      %cond3A_270 = arith.constant 0 : i32
      %cond3A_271 = arith.cmpi ne, %convert_element_type3A_269, %cond3A_270 : i32
      scf.if %cond3A_271 {
        %jit3A_637 = arith.constant 4 : i32
        %div3A_638 = arith.divsi %add3A_266, %jit3A_637 : i32
        %sign3A_639 = arith.constant 0 : i32
        %sign3A_640 = arith.cmpi sgt, %add3A_266, %sign3A_639 : i32
        %sign3A_641 = arith.extui %sign3A_640 : i1 to i32
        %sign3A_642 = arith.constant 0 : i32
        %sign3A_643 = arith.cmpi slt, %add3A_266, %sign3A_642 : i32
        %sign3A_644 = arith.extui %sign3A_643 : i1 to i32
        %sign3A_645 = arith.subi %sign3A_641, %sign3A_644 : i32
        %sign3A_646 = arith.constant 0 : i32
        %sign3A_647 = arith.cmpi sgt, %jit3A_637, %sign3A_646 : i32
        %sign3A_648 = arith.extui %sign3A_647 : i1 to i32
        %sign3A_649 = arith.constant 0 : i32
        %sign3A_650 = arith.cmpi slt, %jit3A_637, %sign3A_649 : i32
        %sign3A_651 = arith.extui %sign3A_650 : i1 to i32
        %sign3A_652 = arith.subi %sign3A_648, %sign3A_651 : i32
        %ne3A_653 = arith.cmpi ne, %sign3A_645, %sign3A_652 : i32
        %rem3A_654 = arith.remsi %add3A_266, %jit3A_637 : i32
        %ne3A_655 = arith.constant 0 : i32
        %ne3A_656 = arith.cmpi ne, %rem3A_654, %ne3A_655 : i32
        %and3A_657 = arith.andi %ne3A_653, %ne3A_656 : i1
        %sub3A_658 = arith.constant 1 : i32
        %sub3A_659 = arith.subi %div3A_638, %sub3A_658 : i32
        %select_n3A_660 = arith.select %and3A_657, %sub3A_659, %div3A_638 : i32
        %mul3A_661 = arith.constant 4 : i32
        %mul3A_662 = arith.muli %select_n3A_660, %mul3A_661 : i32
        %sub3A_663 = arith.subi %add3A_266, %mul3A_662 : i32
        %mul3A_664 = arith.constant 128 : i32
        %mul3A_665 = arith.muli %sub3A_663, %mul3A_664 : i32
        %dma_start3A_666 = tpu.memref_slice %arg5[%select_n3A_660, %mul3A_665] : memref<50x512xi32, #tpu.memory_space<vmem>> -> memref<1x128xi32, #tpu.memory_space<vmem>>
        %dma_start3A_667 = tpu.memref_squeeze %dma_start3A_666 : memref<1x128xi32, #tpu.memory_space<vmem>> -> memref<128xi32, #tpu.memory_space<vmem>>
        %dma_start3A_668 = arith.constant 0 : i32
        %dma_start3A_669 = arith.constant 0 : i32
        %dma_start3A_670 = tpu.memref_slice %arg3[%dma_start3A_668, %dma_start3A_669] : memref<1000000x32xf32, #tpu.memory_space<hbm>> -> memref<1000000x32xf32, #tpu.memory_space<hbm>>
        tpu.enqueue_indirect_dma source(%dma_start3A_670 : memref<1000000x32xf32, #tpu.memory_space<hbm>>) target(%arg8 : memref<128x32xf32, #tpu.memory_space<vmem>>) offsets(%dma_start3A_667 : memref<128xi32, #tpu.memory_space<vmem>>) semaphore(%arg16 : memref<!tpu.dma_semaphore, #tpu.memory_space<semaphore_mem>>)
      } else {
      }
      %add3A_272 = arith.constant 3 : i32
      %add3A_273 = arith.addi %mul3A_64, %add3A_272 : i32
      %jit3A_274 = arith.constant 4 : i32
      %div3A_275 = arith.divsi %add3A_273, %jit3A_274 : i32
      %sign3A_276 = arith.constant 0 : i32
      %sign3A_277 = arith.cmpi sgt, %add3A_273, %sign3A_276 : i32
      %sign3A_278 = arith.extui %sign3A_277 : i1 to i32
      %sign3A_279 = arith.constant 0 : i32
      %sign3A_280 = arith.cmpi slt, %add3A_273, %sign3A_279 : i32
      %sign3A_281 = arith.extui %sign3A_280 : i1 to i32
      %sign3A_282 = arith.subi %sign3A_278, %sign3A_281 : i32
      %sign3A_283 = arith.constant 0 : i32
      %sign3A_284 = arith.cmpi sgt, %jit3A_274, %sign3A_283 : i32
      %sign3A_285 = arith.extui %sign3A_284 : i1 to i32
      %sign3A_286 = arith.constant 0 : i32
      %sign3A_287 = arith.cmpi slt, %jit3A_274, %sign3A_286 : i32
      %sign3A_288 = arith.extui %sign3A_287 : i1 to i32
      %sign3A_289 = arith.subi %sign3A_285, %sign3A_288 : i32
      %ne3A_290 = arith.cmpi ne, %sign3A_282, %sign3A_289 : i32
      %rem3A_291 = arith.remsi %add3A_273, %jit3A_274 : i32
      %ne3A_292 = arith.constant 0 : i32
      %ne3A_293 = arith.cmpi ne, %rem3A_291, %ne3A_292 : i32
      %and3A_294 = arith.andi %ne3A_290, %ne3A_293 : i1
      %sub3A_295 = arith.constant 1 : i32
      %sub3A_296 = arith.subi %div3A_275, %sub3A_295 : i32
      %select_n3A_297 = arith.select %and3A_294, %sub3A_296, %div3A_275 : i32
      %mul3A_298 = arith.constant 4 : i32
      %mul3A_299 = arith.muli %select_n3A_297, %mul3A_298 : i32
      %sub3A_300 = arith.subi %add3A_273, %mul3A_299 : i32
      %jit3A_301 = arith.constant 4 : i32
      %div3A_302 = arith.divsi %add3A_273, %jit3A_301 : i32
      %sign3A_303 = arith.constant 0 : i32
      %sign3A_304 = arith.cmpi sgt, %add3A_273, %sign3A_303 : i32
      %sign3A_305 = arith.extui %sign3A_304 : i1 to i32
      %sign3A_306 = arith.constant 0 : i32
      %sign3A_307 = arith.cmpi slt, %add3A_273, %sign3A_306 : i32
      %sign3A_308 = arith.extui %sign3A_307 : i1 to i32
      %sign3A_309 = arith.subi %sign3A_305, %sign3A_308 : i32
      %sign3A_310 = arith.constant 0 : i32
      %sign3A_311 = arith.cmpi sgt, %jit3A_301, %sign3A_310 : i32
      %sign3A_312 = arith.extui %sign3A_311 : i1 to i32
      %sign3A_313 = arith.constant 0 : i32
      %sign3A_314 = arith.cmpi slt, %jit3A_301, %sign3A_313 : i32
      %sign3A_315 = arith.extui %sign3A_314 : i1 to i32
      %sign3A_316 = arith.subi %sign3A_312, %sign3A_315 : i32
      %ne3A_317 = arith.cmpi ne, %sign3A_309, %sign3A_316 : i32
      %rem3A_318 = arith.remsi %add3A_273, %jit3A_301 : i32
      %ne3A_319 = arith.constant 0 : i32
      %ne3A_320 = arith.cmpi ne, %rem3A_318, %ne3A_319 : i32
      %and3A_321 = arith.andi %ne3A_317, %ne3A_320 : i1
      %sub3A_322 = arith.constant 1 : i32
      %sub3A_323 = arith.subi %div3A_302, %sub3A_322 : i32
      %select_n3A_324 = arith.select %and3A_321, %sub3A_323, %div3A_302 : i32
      %mul3A_325 = arith.constant 4 : i32
      %mul3A_326 = arith.muli %select_n3A_324, %mul3A_325 : i32
      %sub3A_327 = arith.subi %add3A_273, %mul3A_326 : i32
      %mul3A_328 = arith.constant 128 : i32
      %mul3A_329 = arith.muli %sub3A_327, %mul3A_328 : i32
      %dma_wait3A_330 = tpu.memref_slice %arg5[%select_n3A_324, %mul3A_329] : memref<50x512xi32, #tpu.memory_space<vmem>> -> memref<1x128xi32, #tpu.memory_space<vmem>>
      %dma_wait3A_331 = tpu.memref_squeeze %dma_wait3A_330 : memref<1x128xi32, #tpu.memory_space<vmem>> -> memref<128xi32, #tpu.memory_space<vmem>>
      %dma_wait3A_332 = arith.constant 0 : i32
      %dma_wait3A_333 = arith.constant 0 : i32
      %dma_wait3A_334 = tpu.memref_slice %arg3[%dma_wait3A_332, %dma_wait3A_333] : memref<1000000x32xf32, #tpu.memory_space<hbm>> -> memref<1000000x32xf32, #tpu.memory_space<hbm>>
      tpu.wait_indirect_dma semaphore(%arg17 : memref<!tpu.dma_semaphore, #tpu.memory_space<semaphore_mem>>) src(%dma_wait3A_334 : memref<1000000x32xf32, #tpu.memory_space<hbm>>) dst(%arg9 : memref<128x32xf32, #tpu.memory_space<vmem>>)
      %mul3A_335 = arith.constant 128 : i32
      %mul3A_336 = arith.muli %sub3A_300, %mul3A_335 : i32
      %add3A_337 = arith.addi %mul3A_2, %mul3A_336 : i32
      "tpu.region"() ({
        %run_scoped3A = tpu.sem_alloc : memref<!tpu.dma_semaphore, #tpu.memory_space<semaphore_mem>>
        %dma_start3A_637 = arith.constant 0 : i32
        %dma_start3A_638 = tpu.memref_slice %arg4[%add3A_337, %select_n3A_297, %dma_start3A_637] : memref<16384x56x32xf32, #tpu.memory_space<hbm>> -> memref<128x1x32xf32, #tpu.memory_space<hbm>>
        %dma_start3A_639 = tpu.memref_squeeze %dma_start3A_638 : memref<128x1x32xf32, #tpu.memory_space<hbm>> -> memref<128x32xf32, #tpu.memory_space<hbm>>
        %dma_start3A_640 = arith.constant 0 : i32
        %dma_start3A_641 = tpu.memref_slice %arg4[%add3A_337, %select_n3A_297, %dma_start3A_640] : memref<16384x56x32xf32, #tpu.memory_space<hbm>> -> memref<128x1x32xf32, #tpu.memory_space<hbm>>
        %dma_start3A_642 = tpu.memref_squeeze %dma_start3A_641 : memref<128x1x32xf32, #tpu.memory_space<hbm>> -> memref<128x32xf32, #tpu.memory_space<hbm>>
        tpu.enqueue_dma source(%arg9 : memref<128x32xf32, #tpu.memory_space<vmem>>) target(%dma_start3A_642 : memref<128x32xf32, #tpu.memory_space<hbm>>) target_semaphore(%run_scoped3A : memref<!tpu.dma_semaphore, #tpu.memory_space<semaphore_mem>>)
        %dma_wait3A_643 = arith.constant 0 : i32
        %dma_wait3A_644 = tpu.memref_slice %arg4[%add3A_337, %select_n3A_297, %dma_wait3A_643] : memref<16384x56x32xf32, #tpu.memory_space<hbm>> -> memref<128x1x32xf32, #tpu.memory_space<hbm>>
        %dma_wait3A_645 = tpu.memref_squeeze %dma_wait3A_644 : memref<128x1x32xf32, #tpu.memory_space<hbm>> -> memref<128x32xf32, #tpu.memory_space<hbm>>
        %dma_wait3A_646 = arith.constant 0 : i32
        %dma_wait3A_647 = tpu.memref_slice %arg4[%add3A_337, %select_n3A_297, %dma_wait3A_646] : memref<16384x56x32xf32, #tpu.memory_space<hbm>> -> memref<128x1x32xf32, #tpu.memory_space<hbm>>
        %dma_wait3A_648 = tpu.memref_squeeze %dma_wait3A_647 : memref<128x1x32xf32, #tpu.memory_space<hbm>> -> memref<128x32xf32, #tpu.memory_space<hbm>>
        tpu.wait_dma2 semaphore(%run_scoped3A : memref<!tpu.dma_semaphore, #tpu.memory_space<semaphore_mem>>) src(%arg9 : memref<128x32xf32, #tpu.memory_space<vmem>>) dst(%dma_wait3A_648 : memref<128x32xf32, #tpu.memory_space<hbm>>)
        tpu.yield
      }) : () -> ()
      %add3A_338 = arith.constant 8 : i32
      %add3A_339 = arith.addi %add3A_273, %add3A_338 : i32
      %lt3A_340 = arith.constant 200 : i32
      %lt3A_341 = arith.cmpi slt, %add3A_339, %lt3A_340 : i32
      %convert_element_type3A_342 = arith.extui %lt3A_341 : i1 to i32
      %cond3A_343 = arith.constant 0 : i32
      %cond3A_344 = arith.cmpi ne, %convert_element_type3A_342, %cond3A_343 : i32
      scf.if %cond3A_344 {
        %jit3A_637 = arith.constant 4 : i32
        %div3A_638 = arith.divsi %add3A_339, %jit3A_637 : i32
        %sign3A_639 = arith.constant 0 : i32
        %sign3A_640 = arith.cmpi sgt, %add3A_339, %sign3A_639 : i32
        %sign3A_641 = arith.extui %sign3A_640 : i1 to i32
        %sign3A_642 = arith.constant 0 : i32
        %sign3A_643 = arith.cmpi slt, %add3A_339, %sign3A_642 : i32
        %sign3A_644 = arith.extui %sign3A_643 : i1 to i32
        %sign3A_645 = arith.subi %sign3A_641, %sign3A_644 : i32
        %sign3A_646 = arith.constant 0 : i32
        %sign3A_647 = arith.cmpi sgt, %jit3A_637, %sign3A_646 : i32
        %sign3A_648 = arith.extui %sign3A_647 : i1 to i32
        %sign3A_649 = arith.constant 0 : i32
        %sign3A_650 = arith.cmpi slt, %jit3A_637, %sign3A_649 : i32
        %sign3A_651 = arith.extui %sign3A_650 : i1 to i32
        %sign3A_652 = arith.subi %sign3A_648, %sign3A_651 : i32
        %ne3A_653 = arith.cmpi ne, %sign3A_645, %sign3A_652 : i32
        %rem3A_654 = arith.remsi %add3A_339, %jit3A_637 : i32
        %ne3A_655 = arith.constant 0 : i32
        %ne3A_656 = arith.cmpi ne, %rem3A_654, %ne3A_655 : i32
        %and3A_657 = arith.andi %ne3A_653, %ne3A_656 : i1
        %sub3A_658 = arith.constant 1 : i32
        %sub3A_659 = arith.subi %div3A_638, %sub3A_658 : i32
        %select_n3A_660 = arith.select %and3A_657, %sub3A_659, %div3A_638 : i32
        %mul3A_661 = arith.constant 4 : i32
        %mul3A_662 = arith.muli %select_n3A_660, %mul3A_661 : i32
        %sub3A_663 = arith.subi %add3A_339, %mul3A_662 : i32
        %mul3A_664 = arith.constant 128 : i32
        %mul3A_665 = arith.muli %sub3A_663, %mul3A_664 : i32
        %dma_start3A_666 = tpu.memref_slice %arg5[%select_n3A_660, %mul3A_665] : memref<50x512xi32, #tpu.memory_space<vmem>> -> memref<1x128xi32, #tpu.memory_space<vmem>>
        %dma_start3A_667 = tpu.memref_squeeze %dma_start3A_666 : memref<1x128xi32, #tpu.memory_space<vmem>> -> memref<128xi32, #tpu.memory_space<vmem>>
        %dma_start3A_668 = arith.constant 0 : i32
        %dma_start3A_669 = arith.constant 0 : i32
        %dma_start3A_670 = tpu.memref_slice %arg3[%dma_start3A_668, %dma_start3A_669] : memref<1000000x32xf32, #tpu.memory_space<hbm>> -> memref<1000000x32xf32, #tpu.memory_space<hbm>>
        tpu.enqueue_indirect_dma source(%dma_start3A_670 : memref<1000000x32xf32, #tpu.memory_space<hbm>>) target(%arg9 : memref<128x32xf32, #tpu.memory_space<vmem>>) offsets(%dma_start3A_667 : memref<128xi32, #tpu.memory_space<vmem>>) semaphore(%arg17 : memref<!tpu.dma_semaphore, #tpu.memory_space<semaphore_mem>>)
      } else {
      }
      %add3A_345 = arith.constant 4 : i32
      %add3A_346 = arith.addi %mul3A_64, %add3A_345 : i32
      %jit3A_347 = arith.constant 4 : i32
      %div3A_348 = arith.divsi %add3A_346, %jit3A_347 : i32
      %sign3A_349 = arith.constant 0 : i32
      %sign3A_350 = arith.cmpi sgt, %add3A_346, %sign3A_349 : i32
      %sign3A_351 = arith.extui %sign3A_350 : i1 to i32
      %sign3A_352 = arith.constant 0 : i32
      %sign3A_353 = arith.cmpi slt, %add3A_346, %sign3A_352 : i32
      %sign3A_354 = arith.extui %sign3A_353 : i1 to i32
      %sign3A_355 = arith.subi %sign3A_351, %sign3A_354 : i32
      %sign3A_356 = arith.constant 0 : i32
      %sign3A_357 = arith.cmpi sgt, %jit3A_347, %sign3A_356 : i32
      %sign3A_358 = arith.extui %sign3A_357 : i1 to i32
      %sign3A_359 = arith.constant 0 : i32
      %sign3A_360 = arith.cmpi slt, %jit3A_347, %sign3A_359 : i32
      %sign3A_361 = arith.extui %sign3A_360 : i1 to i32
      %sign3A_362 = arith.subi %sign3A_358, %sign3A_361 : i32
      %ne3A_363 = arith.cmpi ne, %sign3A_355, %sign3A_362 : i32
      %rem3A_364 = arith.remsi %add3A_346, %jit3A_347 : i32
      %ne3A_365 = arith.constant 0 : i32
      %ne3A_366 = arith.cmpi ne, %rem3A_364, %ne3A_365 : i32
      %and3A_367 = arith.andi %ne3A_363, %ne3A_366 : i1
      %sub3A_368 = arith.constant 1 : i32
      %sub3A_369 = arith.subi %div3A_348, %sub3A_368 : i32
      %select_n3A_370 = arith.select %and3A_367, %sub3A_369, %div3A_348 : i32
      %mul3A_371 = arith.constant 4 : i32
      %mul3A_372 = arith.muli %select_n3A_370, %mul3A_371 : i32
      %sub3A_373 = arith.subi %add3A_346, %mul3A_372 : i32
      %jit3A_374 = arith.constant 4 : i32
      %div3A_375 = arith.divsi %add3A_346, %jit3A_374 : i32
      %sign3A_376 = arith.constant 0 : i32
      %sign3A_377 = arith.cmpi sgt, %add3A_346, %sign3A_376 : i32
      %sign3A_378 = arith.extui %sign3A_377 : i1 to i32
      %sign3A_379 = arith.constant 0 : i32
      %sign3A_380 = arith.cmpi slt, %add3A_346, %sign3A_379 : i32
      %sign3A_381 = arith.extui %sign3A_380 : i1 to i32
      %sign3A_382 = arith.subi %sign3A_378, %sign3A_381 : i32
      %sign3A_383 = arith.constant 0 : i32
      %sign3A_384 = arith.cmpi sgt, %jit3A_374, %sign3A_383 : i32
      %sign3A_385 = arith.extui %sign3A_384 : i1 to i32
      %sign3A_386 = arith.constant 0 : i32
      %sign3A_387 = arith.cmpi slt, %jit3A_374, %sign3A_386 : i32
      %sign3A_388 = arith.extui %sign3A_387 : i1 to i32
      %sign3A_389 = arith.subi %sign3A_385, %sign3A_388 : i32
      %ne3A_390 = arith.cmpi ne, %sign3A_382, %sign3A_389 : i32
      %rem3A_391 = arith.remsi %add3A_346, %jit3A_374 : i32
      %ne3A_392 = arith.constant 0 : i32
      %ne3A_393 = arith.cmpi ne, %rem3A_391, %ne3A_392 : i32
      %and3A_394 = arith.andi %ne3A_390, %ne3A_393 : i1
      %sub3A_395 = arith.constant 1 : i32
      %sub3A_396 = arith.subi %div3A_375, %sub3A_395 : i32
      %select_n3A_397 = arith.select %and3A_394, %sub3A_396, %div3A_375 : i32
      %mul3A_398 = arith.constant 4 : i32
      %mul3A_399 = arith.muli %select_n3A_397, %mul3A_398 : i32
      %sub3A_400 = arith.subi %add3A_346, %mul3A_399 : i32
      %mul3A_401 = arith.constant 128 : i32
      %mul3A_402 = arith.muli %sub3A_400, %mul3A_401 : i32
      %dma_wait3A_403 = tpu.memref_slice %arg5[%select_n3A_397, %mul3A_402] : memref<50x512xi32, #tpu.memory_space<vmem>> -> memref<1x128xi32, #tpu.memory_space<vmem>>
      %dma_wait3A_404 = tpu.memref_squeeze %dma_wait3A_403 : memref<1x128xi32, #tpu.memory_space<vmem>> -> memref<128xi32, #tpu.memory_space<vmem>>
      %dma_wait3A_405 = arith.constant 0 : i32
      %dma_wait3A_406 = arith.constant 0 : i32
      %dma_wait3A_407 = tpu.memref_slice %arg3[%dma_wait3A_405, %dma_wait3A_406] : memref<1000000x32xf32, #tpu.memory_space<hbm>> -> memref<1000000x32xf32, #tpu.memory_space<hbm>>
      tpu.wait_indirect_dma semaphore(%arg18 : memref<!tpu.dma_semaphore, #tpu.memory_space<semaphore_mem>>) src(%dma_wait3A_407 : memref<1000000x32xf32, #tpu.memory_space<hbm>>) dst(%arg10 : memref<128x32xf32, #tpu.memory_space<vmem>>)
      %mul3A_408 = arith.constant 128 : i32
      %mul3A_409 = arith.muli %sub3A_373, %mul3A_408 : i32
      %add3A_410 = arith.addi %mul3A_2, %mul3A_409 : i32
      "tpu.region"() ({
        %run_scoped3A = tpu.sem_alloc : memref<!tpu.dma_semaphore, #tpu.memory_space<semaphore_mem>>
        %dma_start3A_637 = arith.constant 0 : i32
        %dma_start3A_638 = tpu.memref_slice %arg4[%add3A_410, %select_n3A_370, %dma_start3A_637] : memref<16384x56x32xf32, #tpu.memory_space<hbm>> -> memref<128x1x32xf32, #tpu.memory_space<hbm>>
        %dma_start3A_639 = tpu.memref_squeeze %dma_start3A_638 : memref<128x1x32xf32, #tpu.memory_space<hbm>> -> memref<128x32xf32, #tpu.memory_space<hbm>>
        %dma_start3A_640 = arith.constant 0 : i32
        %dma_start3A_641 = tpu.memref_slice %arg4[%add3A_410, %select_n3A_370, %dma_start3A_640] : memref<16384x56x32xf32, #tpu.memory_space<hbm>> -> memref<128x1x32xf32, #tpu.memory_space<hbm>>
        %dma_start3A_642 = tpu.memref_squeeze %dma_start3A_641 : memref<128x1x32xf32, #tpu.memory_space<hbm>> -> memref<128x32xf32, #tpu.memory_space<hbm>>
        tpu.enqueue_dma source(%arg10 : memref<128x32xf32, #tpu.memory_space<vmem>>) target(%dma_start3A_642 : memref<128x32xf32, #tpu.memory_space<hbm>>) target_semaphore(%run_scoped3A : memref<!tpu.dma_semaphore, #tpu.memory_space<semaphore_mem>>)
        %dma_wait3A_643 = arith.constant 0 : i32
        %dma_wait3A_644 = tpu.memref_slice %arg4[%add3A_410, %select_n3A_370, %dma_wait3A_643] : memref<16384x56x32xf32, #tpu.memory_space<hbm>> -> memref<128x1x32xf32, #tpu.memory_space<hbm>>
        %dma_wait3A_645 = tpu.memref_squeeze %dma_wait3A_644 : memref<128x1x32xf32, #tpu.memory_space<hbm>> -> memref<128x32xf32, #tpu.memory_space<hbm>>
        %dma_wait3A_646 = arith.constant 0 : i32
        %dma_wait3A_647 = tpu.memref_slice %arg4[%add3A_410, %select_n3A_370, %dma_wait3A_646] : memref<16384x56x32xf32, #tpu.memory_space<hbm>> -> memref<128x1x32xf32, #tpu.memory_space<hbm>>
        %dma_wait3A_648 = tpu.memref_squeeze %dma_wait3A_647 : memref<128x1x32xf32, #tpu.memory_space<hbm>> -> memref<128x32xf32, #tpu.memory_space<hbm>>
        tpu.wait_dma2 semaphore(%run_scoped3A : memref<!tpu.dma_semaphore, #tpu.memory_space<semaphore_mem>>) src(%arg10 : memref<128x32xf32, #tpu.memory_space<vmem>>) dst(%dma_wait3A_648 : memref<128x32xf32, #tpu.memory_space<hbm>>)
        tpu.yield
      }) : () -> ()
      %add3A_411 = arith.constant 8 : i32
      %add3A_412 = arith.addi %add3A_346, %add3A_411 : i32
      %lt3A_413 = arith.constant 200 : i32
      %lt3A_414 = arith.cmpi slt, %add3A_412, %lt3A_413 : i32
      %convert_element_type3A_415 = arith.extui %lt3A_414 : i1 to i32
      %cond3A_416 = arith.constant 0 : i32
      %cond3A_417 = arith.cmpi ne, %convert_element_type3A_415, %cond3A_416 : i32
      scf.if %cond3A_417 {
        %jit3A_637 = arith.constant 4 : i32
        %div3A_638 = arith.divsi %add3A_412, %jit3A_637 : i32
        %sign3A_639 = arith.constant 0 : i32
        %sign3A_640 = arith.cmpi sgt, %add3A_412, %sign3A_639 : i32
        %sign3A_641 = arith.extui %sign3A_640 : i1 to i32
        %sign3A_642 = arith.constant 0 : i32
        %sign3A_643 = arith.cmpi slt, %add3A_412, %sign3A_642 : i32
        %sign3A_644 = arith.extui %sign3A_643 : i1 to i32
        %sign3A_645 = arith.subi %sign3A_641, %sign3A_644 : i32
        %sign3A_646 = arith.constant 0 : i32
        %sign3A_647 = arith.cmpi sgt, %jit3A_637, %sign3A_646 : i32
        %sign3A_648 = arith.extui %sign3A_647 : i1 to i32
        %sign3A_649 = arith.constant 0 : i32
        %sign3A_650 = arith.cmpi slt, %jit3A_637, %sign3A_649 : i32
        %sign3A_651 = arith.extui %sign3A_650 : i1 to i32
        %sign3A_652 = arith.subi %sign3A_648, %sign3A_651 : i32
        %ne3A_653 = arith.cmpi ne, %sign3A_645, %sign3A_652 : i32
        %rem3A_654 = arith.remsi %add3A_412, %jit3A_637 : i32
        %ne3A_655 = arith.constant 0 : i32
        %ne3A_656 = arith.cmpi ne, %rem3A_654, %ne3A_655 : i32
        %and3A_657 = arith.andi %ne3A_653, %ne3A_656 : i1
        %sub3A_658 = arith.constant 1 : i32
        %sub3A_659 = arith.subi %div3A_638, %sub3A_658 : i32
        %select_n3A_660 = arith.select %and3A_657, %sub3A_659, %div3A_638 : i32
        %mul3A_661 = arith.constant 4 : i32
        %mul3A_662 = arith.muli %select_n3A_660, %mul3A_661 : i32
        %sub3A_663 = arith.subi %add3A_412, %mul3A_662 : i32
        %mul3A_664 = arith.constant 128 : i32
        %mul3A_665 = arith.muli %sub3A_663, %mul3A_664 : i32
        %dma_start3A_666 = tpu.memref_slice %arg5[%select_n3A_660, %mul3A_665] : memref<50x512xi32, #tpu.memory_space<vmem>> -> memref<1x128xi32, #tpu.memory_space<vmem>>
        %dma_start3A_667 = tpu.memref_squeeze %dma_start3A_666 : memref<1x128xi32, #tpu.memory_space<vmem>> -> memref<128xi32, #tpu.memory_space<vmem>>
        %dma_start3A_668 = arith.constant 0 : i32
        %dma_start3A_669 = arith.constant 0 : i32
        %dma_start3A_670 = tpu.memref_slice %arg3[%dma_start3A_668, %dma_start3A_669] : memref<1000000x32xf32, #tpu.memory_space<hbm>> -> memref<1000000x32xf32, #tpu.memory_space<hbm>>
        tpu.enqueue_indirect_dma source(%dma_start3A_670 : memref<1000000x32xf32, #tpu.memory_space<hbm>>) target(%arg10 : memref<128x32xf32, #tpu.memory_space<vmem>>) offsets(%dma_start3A_667 : memref<128xi32, #tpu.memory_space<vmem>>) semaphore(%arg18 : memref<!tpu.dma_semaphore, #tpu.memory_space<semaphore_mem>>)
      } else {
      }
      %add3A_418 = arith.constant 5 : i32
      %add3A_419 = arith.addi %mul3A_64, %add3A_418 : i32
      %jit3A_420 = arith.constant 4 : i32
      %div3A_421 = arith.divsi %add3A_419, %jit3A_420 : i32
      %sign3A_422 = arith.constant 0 : i32
      %sign3A_423 = arith.cmpi sgt, %add3A_419, %sign3A_422 : i32
      %sign3A_424 = arith.extui %sign3A_423 : i1 to i32
      %sign3A_425 = arith.constant 0 : i32
      %sign3A_426 = arith.cmpi slt, %add3A_419, %sign3A_425 : i32
      %sign3A_427 = arith.extui %sign3A_426 : i1 to i32
      %sign3A_428 = arith.subi %sign3A_424, %sign3A_427 : i32
      %sign3A_429 = arith.constant 0 : i32
      %sign3A_430 = arith.cmpi sgt, %jit3A_420, %sign3A_429 : i32
      %sign3A_431 = arith.extui %sign3A_430 : i1 to i32
      %sign3A_432 = arith.constant 0 : i32
      %sign3A_433 = arith.cmpi slt, %jit3A_420, %sign3A_432 : i32
      %sign3A_434 = arith.extui %sign3A_433 : i1 to i32
      %sign3A_435 = arith.subi %sign3A_431, %sign3A_434 : i32
      %ne3A_436 = arith.cmpi ne, %sign3A_428, %sign3A_435 : i32
      %rem3A_437 = arith.remsi %add3A_419, %jit3A_420 : i32
      %ne3A_438 = arith.constant 0 : i32
      %ne3A_439 = arith.cmpi ne, %rem3A_437, %ne3A_438 : i32
      %and3A_440 = arith.andi %ne3A_436, %ne3A_439 : i1
      %sub3A_441 = arith.constant 1 : i32
      %sub3A_442 = arith.subi %div3A_421, %sub3A_441 : i32
      %select_n3A_443 = arith.select %and3A_440, %sub3A_442, %div3A_421 : i32
      %mul3A_444 = arith.constant 4 : i32
      %mul3A_445 = arith.muli %select_n3A_443, %mul3A_444 : i32
      %sub3A_446 = arith.subi %add3A_419, %mul3A_445 : i32
      %jit3A_447 = arith.constant 4 : i32
      %div3A_448 = arith.divsi %add3A_419, %jit3A_447 : i32
      %sign3A_449 = arith.constant 0 : i32
      %sign3A_450 = arith.cmpi sgt, %add3A_419, %sign3A_449 : i32
      %sign3A_451 = arith.extui %sign3A_450 : i1 to i32
      %sign3A_452 = arith.constant 0 : i32
      %sign3A_453 = arith.cmpi slt, %add3A_419, %sign3A_452 : i32
      %sign3A_454 = arith.extui %sign3A_453 : i1 to i32
      %sign3A_455 = arith.subi %sign3A_451, %sign3A_454 : i32
      %sign3A_456 = arith.constant 0 : i32
      %sign3A_457 = arith.cmpi sgt, %jit3A_447, %sign3A_456 : i32
      %sign3A_458 = arith.extui %sign3A_457 : i1 to i32
      %sign3A_459 = arith.constant 0 : i32
      %sign3A_460 = arith.cmpi slt, %jit3A_447, %sign3A_459 : i32
      %sign3A_461 = arith.extui %sign3A_460 : i1 to i32
      %sign3A_462 = arith.subi %sign3A_458, %sign3A_461 : i32
      %ne3A_463 = arith.cmpi ne, %sign3A_455, %sign3A_462 : i32
      %rem3A_464 = arith.remsi %add3A_419, %jit3A_447 : i32
      %ne3A_465 = arith.constant 0 : i32
      %ne3A_466 = arith.cmpi ne, %rem3A_464, %ne3A_465 : i32
      %and3A_467 = arith.andi %ne3A_463, %ne3A_466 : i1
      %sub3A_468 = arith.constant 1 : i32
      %sub3A_469 = arith.subi %div3A_448, %sub3A_468 : i32
      %select_n3A_470 = arith.select %and3A_467, %sub3A_469, %div3A_448 : i32
      %mul3A_471 = arith.constant 4 : i32
      %mul3A_472 = arith.muli %select_n3A_470, %mul3A_471 : i32
      %sub3A_473 = arith.subi %add3A_419, %mul3A_472 : i32
      %mul3A_474 = arith.constant 128 : i32
      %mul3A_475 = arith.muli %sub3A_473, %mul3A_474 : i32
      %dma_wait3A_476 = tpu.memref_slice %arg5[%select_n3A_470, %mul3A_475] : memref<50x512xi32, #tpu.memory_space<vmem>> -> memref<1x128xi32, #tpu.memory_space<vmem>>
      %dma_wait3A_477 = tpu.memref_squeeze %dma_wait3A_476 : memref<1x128xi32, #tpu.memory_space<vmem>> -> memref<128xi32, #tpu.memory_space<vmem>>
      %dma_wait3A_478 = arith.constant 0 : i32
      %dma_wait3A_479 = arith.constant 0 : i32
      %dma_wait3A_480 = tpu.memref_slice %arg3[%dma_wait3A_478, %dma_wait3A_479] : memref<1000000x32xf32, #tpu.memory_space<hbm>> -> memref<1000000x32xf32, #tpu.memory_space<hbm>>
      tpu.wait_indirect_dma semaphore(%arg19 : memref<!tpu.dma_semaphore, #tpu.memory_space<semaphore_mem>>) src(%dma_wait3A_480 : memref<1000000x32xf32, #tpu.memory_space<hbm>>) dst(%arg11 : memref<128x32xf32, #tpu.memory_space<vmem>>)
      %mul3A_481 = arith.constant 128 : i32
      %mul3A_482 = arith.muli %sub3A_446, %mul3A_481 : i32
      %add3A_483 = arith.addi %mul3A_2, %mul3A_482 : i32
      "tpu.region"() ({
        %run_scoped3A = tpu.sem_alloc : memref<!tpu.dma_semaphore, #tpu.memory_space<semaphore_mem>>
        %dma_start3A_637 = arith.constant 0 : i32
        %dma_start3A_638 = tpu.memref_slice %arg4[%add3A_483, %select_n3A_443, %dma_start3A_637] : memref<16384x56x32xf32, #tpu.memory_space<hbm>> -> memref<128x1x32xf32, #tpu.memory_space<hbm>>
        %dma_start3A_639 = tpu.memref_squeeze %dma_start3A_638 : memref<128x1x32xf32, #tpu.memory_space<hbm>> -> memref<128x32xf32, #tpu.memory_space<hbm>>
        %dma_start3A_640 = arith.constant 0 : i32
        %dma_start3A_641 = tpu.memref_slice %arg4[%add3A_483, %select_n3A_443, %dma_start3A_640] : memref<16384x56x32xf32, #tpu.memory_space<hbm>> -> memref<128x1x32xf32, #tpu.memory_space<hbm>>
        %dma_start3A_642 = tpu.memref_squeeze %dma_start3A_641 : memref<128x1x32xf32, #tpu.memory_space<hbm>> -> memref<128x32xf32, #tpu.memory_space<hbm>>
        tpu.enqueue_dma source(%arg11 : memref<128x32xf32, #tpu.memory_space<vmem>>) target(%dma_start3A_642 : memref<128x32xf32, #tpu.memory_space<hbm>>) target_semaphore(%run_scoped3A : memref<!tpu.dma_semaphore, #tpu.memory_space<semaphore_mem>>)
        %dma_wait3A_643 = arith.constant 0 : i32
        %dma_wait3A_644 = tpu.memref_slice %arg4[%add3A_483, %select_n3A_443, %dma_wait3A_643] : memref<16384x56x32xf32, #tpu.memory_space<hbm>> -> memref<128x1x32xf32, #tpu.memory_space<hbm>>
        %dma_wait3A_645 = tpu.memref_squeeze %dma_wait3A_644 : memref<128x1x32xf32, #tpu.memory_space<hbm>> -> memref<128x32xf32, #tpu.memory_space<hbm>>
        %dma_wait3A_646 = arith.constant 0 : i32
        %dma_wait3A_647 = tpu.memref_slice %arg4[%add3A_483, %select_n3A_443, %dma_wait3A_646] : memref<16384x56x32xf32, #tpu.memory_space<hbm>> -> memref<128x1x32xf32, #tpu.memory_space<hbm>>
        %dma_wait3A_648 = tpu.memref_squeeze %dma_wait3A_647 : memref<128x1x32xf32, #tpu.memory_space<hbm>> -> memref<128x32xf32, #tpu.memory_space<hbm>>
        tpu.wait_dma2 semaphore(%run_scoped3A : memref<!tpu.dma_semaphore, #tpu.memory_space<semaphore_mem>>) src(%arg11 : memref<128x32xf32, #tpu.memory_space<vmem>>) dst(%dma_wait3A_648 : memref<128x32xf32, #tpu.memory_space<hbm>>)
        tpu.yield
      }) : () -> ()
      %add3A_484 = arith.constant 8 : i32
      %add3A_485 = arith.addi %add3A_419, %add3A_484 : i32
      %lt3A_486 = arith.constant 200 : i32
      %lt3A_487 = arith.cmpi slt, %add3A_485, %lt3A_486 : i32
      %convert_element_type3A_488 = arith.extui %lt3A_487 : i1 to i32
      %cond3A_489 = arith.constant 0 : i32
      %cond3A_490 = arith.cmpi ne, %convert_element_type3A_488, %cond3A_489 : i32
      scf.if %cond3A_490 {
        %jit3A_637 = arith.constant 4 : i32
        %div3A_638 = arith.divsi %add3A_485, %jit3A_637 : i32
        %sign3A_639 = arith.constant 0 : i32
        %sign3A_640 = arith.cmpi sgt, %add3A_485, %sign3A_639 : i32
        %sign3A_641 = arith.extui %sign3A_640 : i1 to i32
        %sign3A_642 = arith.constant 0 : i32
        %sign3A_643 = arith.cmpi slt, %add3A_485, %sign3A_642 : i32
        %sign3A_644 = arith.extui %sign3A_643 : i1 to i32
        %sign3A_645 = arith.subi %sign3A_641, %sign3A_644 : i32
        %sign3A_646 = arith.constant 0 : i32
        %sign3A_647 = arith.cmpi sgt, %jit3A_637, %sign3A_646 : i32
        %sign3A_648 = arith.extui %sign3A_647 : i1 to i32
        %sign3A_649 = arith.constant 0 : i32
        %sign3A_650 = arith.cmpi slt, %jit3A_637, %sign3A_649 : i32
        %sign3A_651 = arith.extui %sign3A_650 : i1 to i32
        %sign3A_652 = arith.subi %sign3A_648, %sign3A_651 : i32
        %ne3A_653 = arith.cmpi ne, %sign3A_645, %sign3A_652 : i32
        %rem3A_654 = arith.remsi %add3A_485, %jit3A_637 : i32
        %ne3A_655 = arith.constant 0 : i32
        %ne3A_656 = arith.cmpi ne, %rem3A_654, %ne3A_655 : i32
        %and3A_657 = arith.andi %ne3A_653, %ne3A_656 : i1
        %sub3A_658 = arith.constant 1 : i32
        %sub3A_659 = arith.subi %div3A_638, %sub3A_658 : i32
        %select_n3A_660 = arith.select %and3A_657, %sub3A_659, %div3A_638 : i32
        %mul3A_661 = arith.constant 4 : i32
        %mul3A_662 = arith.muli %select_n3A_660, %mul3A_661 : i32
        %sub3A_663 = arith.subi %add3A_485, %mul3A_662 : i32
        %mul3A_664 = arith.constant 128 : i32
        %mul3A_665 = arith.muli %sub3A_663, %mul3A_664 : i32
        %dma_start3A_666 = tpu.memref_slice %arg5[%select_n3A_660, %mul3A_665] : memref<50x512xi32, #tpu.memory_space<vmem>> -> memref<1x128xi32, #tpu.memory_space<vmem>>
        %dma_start3A_667 = tpu.memref_squeeze %dma_start3A_666 : memref<1x128xi32, #tpu.memory_space<vmem>> -> memref<128xi32, #tpu.memory_space<vmem>>
        %dma_start3A_668 = arith.constant 0 : i32
        %dma_start3A_669 = arith.constant 0 : i32
        %dma_start3A_670 = tpu.memref_slice %arg3[%dma_start3A_668, %dma_start3A_669] : memref<1000000x32xf32, #tpu.memory_space<hbm>> -> memref<1000000x32xf32, #tpu.memory_space<hbm>>
        tpu.enqueue_indirect_dma source(%dma_start3A_670 : memref<1000000x32xf32, #tpu.memory_space<hbm>>) target(%arg11 : memref<128x32xf32, #tpu.memory_space<vmem>>) offsets(%dma_start3A_667 : memref<128xi32, #tpu.memory_space<vmem>>) semaphore(%arg19 : memref<!tpu.dma_semaphore, #tpu.memory_space<semaphore_mem>>)
      } else {
      }
      %add3A_491 = arith.constant 6 : i32
      %add3A_492 = arith.addi %mul3A_64, %add3A_491 : i32
      %jit3A_493 = arith.constant 4 : i32
      %div3A_494 = arith.divsi %add3A_492, %jit3A_493 : i32
      %sign3A_495 = arith.constant 0 : i32
      %sign3A_496 = arith.cmpi sgt, %add3A_492, %sign3A_495 : i32
      %sign3A_497 = arith.extui %sign3A_496 : i1 to i32
      %sign3A_498 = arith.constant 0 : i32
      %sign3A_499 = arith.cmpi slt, %add3A_492, %sign3A_498 : i32
      %sign3A_500 = arith.extui %sign3A_499 : i1 to i32
      %sign3A_501 = arith.subi %sign3A_497, %sign3A_500 : i32
      %sign3A_502 = arith.constant 0 : i32
      %sign3A_503 = arith.cmpi sgt, %jit3A_493, %sign3A_502 : i32
      %sign3A_504 = arith.extui %sign3A_503 : i1 to i32
      %sign3A_505 = arith.constant 0 : i32
      %sign3A_506 = arith.cmpi slt, %jit3A_493, %sign3A_505 : i32
      %sign3A_507 = arith.extui %sign3A_506 : i1 to i32
      %sign3A_508 = arith.subi %sign3A_504, %sign3A_507 : i32
      %ne3A_509 = arith.cmpi ne, %sign3A_501, %sign3A_508 : i32
      %rem3A_510 = arith.remsi %add3A_492, %jit3A_493 : i32
      %ne3A_511 = arith.constant 0 : i32
      %ne3A_512 = arith.cmpi ne, %rem3A_510, %ne3A_511 : i32
      %and3A_513 = arith.andi %ne3A_509, %ne3A_512 : i1
      %sub3A_514 = arith.constant 1 : i32
      %sub3A_515 = arith.subi %div3A_494, %sub3A_514 : i32
      %select_n3A_516 = arith.select %and3A_513, %sub3A_515, %div3A_494 : i32
      %mul3A_517 = arith.constant 4 : i32
      %mul3A_518 = arith.muli %select_n3A_516, %mul3A_517 : i32
      %sub3A_519 = arith.subi %add3A_492, %mul3A_518 : i32
      %jit3A_520 = arith.constant 4 : i32
      %div3A_521 = arith.divsi %add3A_492, %jit3A_520 : i32
      %sign3A_522 = arith.constant 0 : i32
      %sign3A_523 = arith.cmpi sgt, %add3A_492, %sign3A_522 : i32
      %sign3A_524 = arith.extui %sign3A_523 : i1 to i32
      %sign3A_525 = arith.constant 0 : i32
      %sign3A_526 = arith.cmpi slt, %add3A_492, %sign3A_525 : i32
      %sign3A_527 = arith.extui %sign3A_526 : i1 to i32
      %sign3A_528 = arith.subi %sign3A_524, %sign3A_527 : i32
      %sign3A_529 = arith.constant 0 : i32
      %sign3A_530 = arith.cmpi sgt, %jit3A_520, %sign3A_529 : i32
      %sign3A_531 = arith.extui %sign3A_530 : i1 to i32
      %sign3A_532 = arith.constant 0 : i32
      %sign3A_533 = arith.cmpi slt, %jit3A_520, %sign3A_532 : i32
      %sign3A_534 = arith.extui %sign3A_533 : i1 to i32
      %sign3A_535 = arith.subi %sign3A_531, %sign3A_534 : i32
      %ne3A_536 = arith.cmpi ne, %sign3A_528, %sign3A_535 : i32
      %rem3A_537 = arith.remsi %add3A_492, %jit3A_520 : i32
      %ne3A_538 = arith.constant 0 : i32
      %ne3A_539 = arith.cmpi ne, %rem3A_537, %ne3A_538 : i32
      %and3A_540 = arith.andi %ne3A_536, %ne3A_539 : i1
      %sub3A_541 = arith.constant 1 : i32
      %sub3A_542 = arith.subi %div3A_521, %sub3A_541 : i32
      %select_n3A_543 = arith.select %and3A_540, %sub3A_542, %div3A_521 : i32
      %mul3A_544 = arith.constant 4 : i32
      %mul3A_545 = arith.muli %select_n3A_543, %mul3A_544 : i32
      %sub3A_546 = arith.subi %add3A_492, %mul3A_545 : i32
      %mul3A_547 = arith.constant 128 : i32
      %mul3A_548 = arith.muli %sub3A_546, %mul3A_547 : i32
      %dma_wait3A_549 = tpu.memref_slice %arg5[%select_n3A_543, %mul3A_548] : memref<50x512xi32, #tpu.memory_space<vmem>> -> memref<1x128xi32, #tpu.memory_space<vmem>>
      %dma_wait3A_550 = tpu.memref_squeeze %dma_wait3A_549 : memref<1x128xi32, #tpu.memory_space<vmem>> -> memref<128xi32, #tpu.memory_space<vmem>>
      %dma_wait3A_551 = arith.constant 0 : i32
      %dma_wait3A_552 = arith.constant 0 : i32
      %dma_wait3A_553 = tpu.memref_slice %arg3[%dma_wait3A_551, %dma_wait3A_552] : memref<1000000x32xf32, #tpu.memory_space<hbm>> -> memref<1000000x32xf32, #tpu.memory_space<hbm>>
      tpu.wait_indirect_dma semaphore(%arg20 : memref<!tpu.dma_semaphore, #tpu.memory_space<semaphore_mem>>) src(%dma_wait3A_553 : memref<1000000x32xf32, #tpu.memory_space<hbm>>) dst(%arg12 : memref<128x32xf32, #tpu.memory_space<vmem>>)
      %mul3A_554 = arith.constant 128 : i32
      %mul3A_555 = arith.muli %sub3A_519, %mul3A_554 : i32
      %add3A_556 = arith.addi %mul3A_2, %mul3A_555 : i32
      "tpu.region"() ({
        %run_scoped3A = tpu.sem_alloc : memref<!tpu.dma_semaphore, #tpu.memory_space<semaphore_mem>>
        %dma_start3A_637 = arith.constant 0 : i32
        %dma_start3A_638 = tpu.memref_slice %arg4[%add3A_556, %select_n3A_516, %dma_start3A_637] : memref<16384x56x32xf32, #tpu.memory_space<hbm>> -> memref<128x1x32xf32, #tpu.memory_space<hbm>>
        %dma_start3A_639 = tpu.memref_squeeze %dma_start3A_638 : memref<128x1x32xf32, #tpu.memory_space<hbm>> -> memref<128x32xf32, #tpu.memory_space<hbm>>
        %dma_start3A_640 = arith.constant 0 : i32
        %dma_start3A_641 = tpu.memref_slice %arg4[%add3A_556, %select_n3A_516, %dma_start3A_640] : memref<16384x56x32xf32, #tpu.memory_space<hbm>> -> memref<128x1x32xf32, #tpu.memory_space<hbm>>
        %dma_start3A_642 = tpu.memref_squeeze %dma_start3A_641 : memref<128x1x32xf32, #tpu.memory_space<hbm>> -> memref<128x32xf32, #tpu.memory_space<hbm>>
        tpu.enqueue_dma source(%arg12 : memref<128x32xf32, #tpu.memory_space<vmem>>) target(%dma_start3A_642 : memref<128x32xf32, #tpu.memory_space<hbm>>) target_semaphore(%run_scoped3A : memref<!tpu.dma_semaphore, #tpu.memory_space<semaphore_mem>>)
        %dma_wait3A_643 = arith.constant 0 : i32
        %dma_wait3A_644 = tpu.memref_slice %arg4[%add3A_556, %select_n3A_516, %dma_wait3A_643] : memref<16384x56x32xf32, #tpu.memory_space<hbm>> -> memref<128x1x32xf32, #tpu.memory_space<hbm>>
        %dma_wait3A_645 = tpu.memref_squeeze %dma_wait3A_644 : memref<128x1x32xf32, #tpu.memory_space<hbm>> -> memref<128x32xf32, #tpu.memory_space<hbm>>
        %dma_wait3A_646 = arith.constant 0 : i32
        %dma_wait3A_647 = tpu.memref_slice %arg4[%add3A_556, %select_n3A_516, %dma_wait3A_646] : memref<16384x56x32xf32, #tpu.memory_space<hbm>> -> memref<128x1x32xf32, #tpu.memory_space<hbm>>
        %dma_wait3A_648 = tpu.memref_squeeze %dma_wait3A_647 : memref<128x1x32xf32, #tpu.memory_space<hbm>> -> memref<128x32xf32, #tpu.memory_space<hbm>>
        tpu.wait_dma2 semaphore(%run_scoped3A : memref<!tpu.dma_semaphore, #tpu.memory_space<semaphore_mem>>) src(%arg12 : memref<128x32xf32, #tpu.memory_space<vmem>>) dst(%dma_wait3A_648 : memref<128x32xf32, #tpu.memory_space<hbm>>)
        tpu.yield
      }) : () -> ()
      %add3A_557 = arith.constant 8 : i32
      %add3A_558 = arith.addi %add3A_492, %add3A_557 : i32
      %lt3A_559 = arith.constant 200 : i32
      %lt3A_560 = arith.cmpi slt, %add3A_558, %lt3A_559 : i32
      %convert_element_type3A_561 = arith.extui %lt3A_560 : i1 to i32
      %cond3A_562 = arith.constant 0 : i32
      %cond3A_563 = arith.cmpi ne, %convert_element_type3A_561, %cond3A_562 : i32
      scf.if %cond3A_563 {
        %jit3A_637 = arith.constant 4 : i32
        %div3A_638 = arith.divsi %add3A_558, %jit3A_637 : i32
        %sign3A_639 = arith.constant 0 : i32
        %sign3A_640 = arith.cmpi sgt, %add3A_558, %sign3A_639 : i32
        %sign3A_641 = arith.extui %sign3A_640 : i1 to i32
        %sign3A_642 = arith.constant 0 : i32
        %sign3A_643 = arith.cmpi slt, %add3A_558, %sign3A_642 : i32
        %sign3A_644 = arith.extui %sign3A_643 : i1 to i32
        %sign3A_645 = arith.subi %sign3A_641, %sign3A_644 : i32
        %sign3A_646 = arith.constant 0 : i32
        %sign3A_647 = arith.cmpi sgt, %jit3A_637, %sign3A_646 : i32
        %sign3A_648 = arith.extui %sign3A_647 : i1 to i32
        %sign3A_649 = arith.constant 0 : i32
        %sign3A_650 = arith.cmpi slt, %jit3A_637, %sign3A_649 : i32
        %sign3A_651 = arith.extui %sign3A_650 : i1 to i32
        %sign3A_652 = arith.subi %sign3A_648, %sign3A_651 : i32
        %ne3A_653 = arith.cmpi ne, %sign3A_645, %sign3A_652 : i32
        %rem3A_654 = arith.remsi %add3A_558, %jit3A_637 : i32
        %ne3A_655 = arith.constant 0 : i32
        %ne3A_656 = arith.cmpi ne, %rem3A_654, %ne3A_655 : i32
        %and3A_657 = arith.andi %ne3A_653, %ne3A_656 : i1
        %sub3A_658 = arith.constant 1 : i32
        %sub3A_659 = arith.subi %div3A_638, %sub3A_658 : i32
        %select_n3A_660 = arith.select %and3A_657, %sub3A_659, %div3A_638 : i32
        %mul3A_661 = arith.constant 4 : i32
        %mul3A_662 = arith.muli %select_n3A_660, %mul3A_661 : i32
        %sub3A_663 = arith.subi %add3A_558, %mul3A_662 : i32
        %mul3A_664 = arith.constant 128 : i32
        %mul3A_665 = arith.muli %sub3A_663, %mul3A_664 : i32
        %dma_start3A_666 = tpu.memref_slice %arg5[%select_n3A_660, %mul3A_665] : memref<50x512xi32, #tpu.memory_space<vmem>> -> memref<1x128xi32, #tpu.memory_space<vmem>>
        %dma_start3A_667 = tpu.memref_squeeze %dma_start3A_666 : memref<1x128xi32, #tpu.memory_space<vmem>> -> memref<128xi32, #tpu.memory_space<vmem>>
        %dma_start3A_668 = arith.constant 0 : i32
        %dma_start3A_669 = arith.constant 0 : i32
        %dma_start3A_670 = tpu.memref_slice %arg3[%dma_start3A_668, %dma_start3A_669] : memref<1000000x32xf32, #tpu.memory_space<hbm>> -> memref<1000000x32xf32, #tpu.memory_space<hbm>>
        tpu.enqueue_indirect_dma source(%dma_start3A_670 : memref<1000000x32xf32, #tpu.memory_space<hbm>>) target(%arg12 : memref<128x32xf32, #tpu.memory_space<vmem>>) offsets(%dma_start3A_667 : memref<128xi32, #tpu.memory_space<vmem>>) semaphore(%arg20 : memref<!tpu.dma_semaphore, #tpu.memory_space<semaphore_mem>>)
      } else {
      }
      %add3A_564 = arith.constant 7 : i32
      %add3A_565 = arith.addi %mul3A_64, %add3A_564 : i32
      %jit3A_566 = arith.constant 4 : i32
      %div3A_567 = arith.divsi %add3A_565, %jit3A_566 : i32
      %sign3A_568 = arith.constant 0 : i32
      %sign3A_569 = arith.cmpi sgt, %add3A_565, %sign3A_568 : i32
      %sign3A_570 = arith.extui %sign3A_569 : i1 to i32
      %sign3A_571 = arith.constant 0 : i32
      %sign3A_572 = arith.cmpi slt, %add3A_565, %sign3A_571 : i32
      %sign3A_573 = arith.extui %sign3A_572 : i1 to i32
      %sign3A_574 = arith.subi %sign3A_570, %sign3A_573 : i32
      %sign3A_575 = arith.constant 0 : i32
      %sign3A_576 = arith.cmpi sgt, %jit3A_566, %sign3A_575 : i32
      %sign3A_577 = arith.extui %sign3A_576 : i1 to i32
      %sign3A_578 = arith.constant 0 : i32
      %sign3A_579 = arith.cmpi slt, %jit3A_566, %sign3A_578 : i32
      %sign3A_580 = arith.extui %sign3A_579 : i1 to i32
      %sign3A_581 = arith.subi %sign3A_577, %sign3A_580 : i32
      %ne3A_582 = arith.cmpi ne, %sign3A_574, %sign3A_581 : i32
      %rem3A_583 = arith.remsi %add3A_565, %jit3A_566 : i32
      %ne3A_584 = arith.constant 0 : i32
      %ne3A_585 = arith.cmpi ne, %rem3A_583, %ne3A_584 : i32
      %and3A_586 = arith.andi %ne3A_582, %ne3A_585 : i1
      %sub3A_587 = arith.constant 1 : i32
      %sub3A_588 = arith.subi %div3A_567, %sub3A_587 : i32
      %select_n3A_589 = arith.select %and3A_586, %sub3A_588, %div3A_567 : i32
      %mul3A_590 = arith.constant 4 : i32
      %mul3A_591 = arith.muli %select_n3A_589, %mul3A_590 : i32
      %sub3A_592 = arith.subi %add3A_565, %mul3A_591 : i32
      %jit3A_593 = arith.constant 4 : i32
      %div3A_594 = arith.divsi %add3A_565, %jit3A_593 : i32
      %sign3A_595 = arith.constant 0 : i32
      %sign3A_596 = arith.cmpi sgt, %add3A_565, %sign3A_595 : i32
      %sign3A_597 = arith.extui %sign3A_596 : i1 to i32
      %sign3A_598 = arith.constant 0 : i32
      %sign3A_599 = arith.cmpi slt, %add3A_565, %sign3A_598 : i32
      %sign3A_600 = arith.extui %sign3A_599 : i1 to i32
      %sign3A_601 = arith.subi %sign3A_597, %sign3A_600 : i32
      %sign3A_602 = arith.constant 0 : i32
      %sign3A_603 = arith.cmpi sgt, %jit3A_593, %sign3A_602 : i32
      %sign3A_604 = arith.extui %sign3A_603 : i1 to i32
      %sign3A_605 = arith.constant 0 : i32
      %sign3A_606 = arith.cmpi slt, %jit3A_593, %sign3A_605 : i32
      %sign3A_607 = arith.extui %sign3A_606 : i1 to i32
      %sign3A_608 = arith.subi %sign3A_604, %sign3A_607 : i32
      %ne3A_609 = arith.cmpi ne, %sign3A_601, %sign3A_608 : i32
      %rem3A_610 = arith.remsi %add3A_565, %jit3A_593 : i32
      %ne3A_611 = arith.constant 0 : i32
      %ne3A_612 = arith.cmpi ne, %rem3A_610, %ne3A_611 : i32
      %and3A_613 = arith.andi %ne3A_609, %ne3A_612 : i1
      %sub3A_614 = arith.constant 1 : i32
      %sub3A_615 = arith.subi %div3A_594, %sub3A_614 : i32
      %select_n3A_616 = arith.select %and3A_613, %sub3A_615, %div3A_594 : i32
      %mul3A_617 = arith.constant 4 : i32
      %mul3A_618 = arith.muli %select_n3A_616, %mul3A_617 : i32
      %sub3A_619 = arith.subi %add3A_565, %mul3A_618 : i32
      %mul3A_620 = arith.constant 128 : i32
      %mul3A_621 = arith.muli %sub3A_619, %mul3A_620 : i32
      %dma_wait3A_622 = tpu.memref_slice %arg5[%select_n3A_616, %mul3A_621] : memref<50x512xi32, #tpu.memory_space<vmem>> -> memref<1x128xi32, #tpu.memory_space<vmem>>
      %dma_wait3A_623 = tpu.memref_squeeze %dma_wait3A_622 : memref<1x128xi32, #tpu.memory_space<vmem>> -> memref<128xi32, #tpu.memory_space<vmem>>
      %dma_wait3A_624 = arith.constant 0 : i32
      %dma_wait3A_625 = arith.constant 0 : i32
      %dma_wait3A_626 = tpu.memref_slice %arg3[%dma_wait3A_624, %dma_wait3A_625] : memref<1000000x32xf32, #tpu.memory_space<hbm>> -> memref<1000000x32xf32, #tpu.memory_space<hbm>>
      tpu.wait_indirect_dma semaphore(%arg21 : memref<!tpu.dma_semaphore, #tpu.memory_space<semaphore_mem>>) src(%dma_wait3A_626 : memref<1000000x32xf32, #tpu.memory_space<hbm>>) dst(%arg13 : memref<128x32xf32, #tpu.memory_space<vmem>>)
      %mul3A_627 = arith.constant 128 : i32
      %mul3A_628 = arith.muli %sub3A_592, %mul3A_627 : i32
      %add3A_629 = arith.addi %mul3A_2, %mul3A_628 : i32
      "tpu.region"() ({
        %run_scoped3A = tpu.sem_alloc : memref<!tpu.dma_semaphore, #tpu.memory_space<semaphore_mem>>
        %dma_start3A_637 = arith.constant 0 : i32
        %dma_start3A_638 = tpu.memref_slice %arg4[%add3A_629, %select_n3A_589, %dma_start3A_637] : memref<16384x56x32xf32, #tpu.memory_space<hbm>> -> memref<128x1x32xf32, #tpu.memory_space<hbm>>
        %dma_start3A_639 = tpu.memref_squeeze %dma_start3A_638 : memref<128x1x32xf32, #tpu.memory_space<hbm>> -> memref<128x32xf32, #tpu.memory_space<hbm>>
        %dma_start3A_640 = arith.constant 0 : i32
        %dma_start3A_641 = tpu.memref_slice %arg4[%add3A_629, %select_n3A_589, %dma_start3A_640] : memref<16384x56x32xf32, #tpu.memory_space<hbm>> -> memref<128x1x32xf32, #tpu.memory_space<hbm>>
        %dma_start3A_642 = tpu.memref_squeeze %dma_start3A_641 : memref<128x1x32xf32, #tpu.memory_space<hbm>> -> memref<128x32xf32, #tpu.memory_space<hbm>>
        tpu.enqueue_dma source(%arg13 : memref<128x32xf32, #tpu.memory_space<vmem>>) target(%dma_start3A_642 : memref<128x32xf32, #tpu.memory_space<hbm>>) target_semaphore(%run_scoped3A : memref<!tpu.dma_semaphore, #tpu.memory_space<semaphore_mem>>)
        %dma_wait3A_643 = arith.constant 0 : i32
        %dma_wait3A_644 = tpu.memref_slice %arg4[%add3A_629, %select_n3A_589, %dma_wait3A_643] : memref<16384x56x32xf32, #tpu.memory_space<hbm>> -> memref<128x1x32xf32, #tpu.memory_space<hbm>>
        %dma_wait3A_645 = tpu.memref_squeeze %dma_wait3A_644 : memref<128x1x32xf32, #tpu.memory_space<hbm>> -> memref<128x32xf32, #tpu.memory_space<hbm>>
        %dma_wait3A_646 = arith.constant 0 : i32
        %dma_wait3A_647 = tpu.memref_slice %arg4[%add3A_629, %select_n3A_589, %dma_wait3A_646] : memref<16384x56x32xf32, #tpu.memory_space<hbm>> -> memref<128x1x32xf32, #tpu.memory_space<hbm>>
        %dma_wait3A_648 = tpu.memref_squeeze %dma_wait3A_647 : memref<128x1x32xf32, #tpu.memory_space<hbm>> -> memref<128x32xf32, #tpu.memory_space<hbm>>
        tpu.wait_dma2 semaphore(%run_scoped3A : memref<!tpu.dma_semaphore, #tpu.memory_space<semaphore_mem>>) src(%arg13 : memref<128x32xf32, #tpu.memory_space<vmem>>) dst(%dma_wait3A_648 : memref<128x32xf32, #tpu.memory_space<hbm>>)
        tpu.yield
      }) : () -> ()
      %add3A_630 = arith.constant 8 : i32
      %add3A_631 = arith.addi %add3A_565, %add3A_630 : i32
      %lt3A_632 = arith.constant 200 : i32
      %lt3A_633 = arith.cmpi slt, %add3A_631, %lt3A_632 : i32
      %convert_element_type3A_634 = arith.extui %lt3A_633 : i1 to i32
      %cond3A_635 = arith.constant 0 : i32
      %cond3A_636 = arith.cmpi ne, %convert_element_type3A_634, %cond3A_635 : i32
      scf.if %cond3A_636 {
        %jit3A_637 = arith.constant 4 : i32
        %div3A_638 = arith.divsi %add3A_631, %jit3A_637 : i32
        %sign3A_639 = arith.constant 0 : i32
        %sign3A_640 = arith.cmpi sgt, %add3A_631, %sign3A_639 : i32
        %sign3A_641 = arith.extui %sign3A_640 : i1 to i32
        %sign3A_642 = arith.constant 0 : i32
        %sign3A_643 = arith.cmpi slt, %add3A_631, %sign3A_642 : i32
        %sign3A_644 = arith.extui %sign3A_643 : i1 to i32
        %sign3A_645 = arith.subi %sign3A_641, %sign3A_644 : i32
        %sign3A_646 = arith.constant 0 : i32
        %sign3A_647 = arith.cmpi sgt, %jit3A_637, %sign3A_646 : i32
        %sign3A_648 = arith.extui %sign3A_647 : i1 to i32
        %sign3A_649 = arith.constant 0 : i32
        %sign3A_650 = arith.cmpi slt, %jit3A_637, %sign3A_649 : i32
        %sign3A_651 = arith.extui %sign3A_650 : i1 to i32
        %sign3A_652 = arith.subi %sign3A_648, %sign3A_651 : i32
        %ne3A_653 = arith.cmpi ne, %sign3A_645, %sign3A_652 : i32
        %rem3A_654 = arith.remsi %add3A_631, %jit3A_637 : i32
        %ne3A_655 = arith.constant 0 : i32
        %ne3A_656 = arith.cmpi ne, %rem3A_654, %ne3A_655 : i32
        %and3A_657 = arith.andi %ne3A_653, %ne3A_656 : i1
        %sub3A_658 = arith.constant 1 : i32
        %sub3A_659 = arith.subi %div3A_638, %sub3A_658 : i32
        %select_n3A_660 = arith.select %and3A_657, %sub3A_659, %div3A_638 : i32
        %mul3A_661 = arith.constant 4 : i32
        %mul3A_662 = arith.muli %select_n3A_660, %mul3A_661 : i32
        %sub3A_663 = arith.subi %add3A_631, %mul3A_662 : i32
        %mul3A_664 = arith.constant 128 : i32
        %mul3A_665 = arith.muli %sub3A_663, %mul3A_664 : i32
        %dma_start3A_666 = tpu.memref_slice %arg5[%select_n3A_660, %mul3A_665] : memref<50x512xi32, #tpu.memory_space<vmem>> -> memref<1x128xi32, #tpu.memory_space<vmem>>
        %dma_start3A_667 = tpu.memref_squeeze %dma_start3A_666 : memref<1x128xi32, #tpu.memory_space<vmem>> -> memref<128xi32, #tpu.memory_space<vmem>>
        %dma_start3A_668 = arith.constant 0 : i32
        %dma_start3A_669 = arith.constant 0 : i32
        %dma_start3A_670 = tpu.memref_slice %arg3[%dma_start3A_668, %dma_start3A_669] : memref<1000000x32xf32, #tpu.memory_space<hbm>> -> memref<1000000x32xf32, #tpu.memory_space<hbm>>
        tpu.enqueue_indirect_dma source(%dma_start3A_670 : memref<1000000x32xf32, #tpu.memory_space<hbm>>) target(%arg13 : memref<128x32xf32, #tpu.memory_space<vmem>>) offsets(%dma_start3A_667 : memref<128xi32, #tpu.memory_space<vmem>>) semaphore(%arg21 : memref<!tpu.dma_semaphore, #tpu.memory_space<semaphore_mem>>)
      } else {
      }
    }
    %scan3A_61 = arith.constant 25 : i32
    return
  }
}

</mosaic_0001>

<sc_bundles>
// kernel: kernel.3.cloned.1.call-start
scs
__scs_entry_jumppad:
0x0: {  	(pc) =	sbr.rel $0x88, $3  }
0x1: {  	(tag) =	ssettag $0x0;
	lr =	simm.s32 $0x1  }
0x2: {  	[smem:$0x3F9F] =	sst lr;
	_ =	strace $0xD0000000  }
0x3: {  	_ = 	snop  }
0x4: {  	_ = 	snop  }
0x5: {  	_ = 	snop  }
0x6: {  	_ = 	snop  }
0x7: {  	_ = 	snop  }
__scs_overlays_trampoline_lowered:
0x8: {  	[smem:$0x3FAE] =	sst s0  }
0x9: {  	[smem:$0x3FAF] =	sst s1  }
0xa: {  	[smem:$0x3FB0] =	sst s2  }
0xb: {  	[smem:$0x3FB1] =	sst s3  }
0xc: {  	[smem:$0x3FB2] =	sst s4  }
0xd: {  	[smem:$0x3FB3] =	sst s5  }
0xe: {  	[smem:$0x3FB4] =	sst s6  }
0xf: {  	[smem:$0x3FB5] =	sst s7  }
0x10: {  	[smem:$0x3FB6] =	sst s8  }
0x11: {  	[smem:$0x3FB7] =	sst s9;
	s0 =	simm.s32 @!p0 $0x0  }
0x12: {  	s1 =	sld [smem:$0x3F9D];
	s0 =	simm.s32 @p0 $0x1  }
0x13: {  	[smem:$0x3FB8] =	sst s0;
	s0 =	simm.s32 @!p1 $0x0  }
0x14: {  	s2 =	sld [smem:$0x3F9C];
	s0 =	simm.s32 @p1 $0x1  }
0x15: {  	[smem:$0x3FB9] =	sst s0;
	s0 =	simm.s32 @!p2 $0x0  }
0x16: {  	s3 =	sld [smem:$0x3FDB];
	s0 =	simm.s32 @p2 $0x1  }
0x17: {  	s4 =	simm.s32 $0x1BF5;
	[smem:$0x3FBB] =	sst s0  }
0x18: {  	s0 =	sld [smem:$0x3F9E];
	_ =	swait.ge [sflag:s4], $0x0  }
0x19: {  	s7 =	sld [smem:$0x3F9F]  }
0x1a: {  	s8 =	sadd.s32 $0xFFFFE003, lr  }
0x1b: {  	s9 =	sadd.s32 $0xFFFFFEF7, lr;
	s5 =	simm.s32 $0xFFFFFFFF;
	p2 =	slt.u32 s8, $0xFFFFF086  }
0x1c: {  	p1 =	slt.u32 s9, $0xF7A;
	s5 =	simm.s32 @!p2 $0x0  }
0x1d: {  	s5 =	simm.s32 @p1 $0x1;
	p0 =	seq.s32 s7, s2  }
0x1e: {  	s7 =	smul.u32 @!p0 $0xF7A, s2;
	p2 =	seq.s32 @!p0 s5, $0x0  }
0x1f: {  	s9 =	smul.u32 $0xF7A, s1;
	s8 =	simm.s32 @!p0 $0x1BF5;
	p2 =	por !p2, p0  }
0x20: {  	[sflag:s8] =	ssyncset.s32 @!p0 $0xFFFFF086;
	s6 =	sadd.s32 @!p0 s3, s7;
	s7 =	simm.s32 @!p0 $0x108  }
0x21: {  	s3 =	sadd.s32 s3, s9;
	s6 =	sadd.s32 @!p0 $0x88, s6;
	s7 =	simm.s32 @p2 $0x1082  }
0x22: {  	[simem:s7], [sflag:s8] =	dma.local @!p0 [hbm:s6], $0xF7A  }
0x23: {  	s9 =	sor.u32 $0xD0000000, s2;
	s6 =	simm.s32 $0x108;
	_ =	swait.ge @!p0 [sflag:s8], $0x0  }
0x24: {  	s3 =	sadd.s32 $0x88, s3;
	s6 =	simm.s32 @!p1 $0x1082;
	[sflag:s4] =	ssyncset.s32 $0xFFFFF086  }
0x25: {  	[simem:s6], [sflag:s4] =	dma.local [hbm:s3], $0xF7A  }
0x26: {  	[smem:$0x3F9F] =	sst s1;
	(tag) =	ssettag s2;
	_ =	strace s9  }
0x27: {  	s1 =	sld [smem:$0x3FAF]  }
0x28: {  	s2 =	sld [smem:$0x3FB0]  }
0x29: {  	s4 =	sld [smem:$0x3FB2]  }
0x2a: {  	p0 =	seq.s32 s5, $0x0;
	s5 =	sld [smem:$0x3FB3]  }
0x2b: {  	s6 =	sld [smem:$0x3FB4]  }
0x2c: {  	s7 =	sld [smem:$0x3FB5]  }
0x2d: {  	s3 =	simm.s32 $0x108;
	s8 =	sld [smem:$0x3FB6]  }
0x2e: {  	s3 =	simm.s32 @!p0 $0x1082;
	s9 =	sld [smem:$0x3FB7]  }
0x2f: {  	lr =	sadd.s32 s0, s3;
	s0 =	sld [smem:$0x3FAE]  }
0x30: {  	s3 =	sld [smem:$0x3FB1]  }
0x31: {  	[smem:$0x3FBA] =	sst s10  }
0x32: {  	s10 =	sld [smem:$0x3FB8];
	_ =	sdelay $0x3  }
0x33: {  	p0 =	seq.s32 s10, $0x1;
	s10 =	sld [smem:$0x3FBA];
	_ =	sdelay $0x3  }
0x34: {  	[smem:$0x3FBA] =	sst s10  }
0x35: {  	s10 =	sld [smem:$0x3FB9];
	_ =	sdelay $0x3  }
0x36: {  	p1 =	seq.s32 s10, $0x1;
	s10 =	sld [smem:$0x3FBA];
	_ =	sdelay $0x3  }
0x37: {  	[smem:$0x3FBA] =	sst s10  }
0x38: {  	s10 =	sld [smem:$0x3FBB]  }
0x39: {  	_ = 	snop;
	(pc) =	sbr.ind lr, $3  }
0x3a: {  	_ = 	snop  }
0x3b: {  	_ = 	snop  }
0x3c: {  	p2 =	seq.s32 s10, $0x1;
	s10 =	sld [smem:$0x3FBA]  }
0x3d: {  	_ =	shalt  }
0x3e: {  	_ =	shalt  }
0x3f: {  	_ =	shalt  }
0x40: {  	_ =	shalt  }
0x41: {  	_ =	shalt  }
0x42: {  	_ =	shalt  }
0x43: {  	_ =	shalt  }
0x44: {  	_ =	shalt  }
0x45: {  	_ =	shalt  }
0x46: {  	_ =	shalt  }
0x47: {  	_ =	shalt  }
0x48: {  	_ =	shalt  }
0x49: {  	_ =	shalt  }
0x4a: {  	_ =	shalt  }
0x4b: {  	_ =	shalt  }
0x4c: {  	_ =	shalt  }
0x4d: {  	_ =	shalt  }
0x4e: {  	_ =	shalt  }
0x4f: {  	_ =	shalt  }
0x50: {  	_ =	shalt  }
0x51: {  	_ =	shalt  }
0x52: {  	_ =	shalt  }
0x53: {  	_ =	shalt  }
0x54: {  	_ =	shalt  }
0x55: {  	_ =	shalt  }
0x56: {  	_ =	shalt  }
0x57: {  	_ =	shalt  }
0x58: {  	_ =	shalt  }
0x59: {  	_ =	shalt  }
0x5a: {  	_ =	shalt  }
0x5b: {  	_ =	shalt  }
0x5c: {  	_ =	shalt  }
0x5d: {  	_ =	shalt  }
0x5e: {  	_ =	shalt  }
0x5f: {  	_ =	shalt  }
0x60: {  	_ =	shalt  }
0x61: {  	_ =	shalt  }
0x62: {  	_ =	shalt  }
0x63: {  	_ =	shalt  }
0x64: {  	_ =	shalt  }
0x65: {  	_ =	shalt  }
0x66: {  	_ =	shalt  }
0x67: {  	_ =	shalt  }
0x68: {  	_ =	shalt  }
0x69: {  	_ =	shalt  }
0x6a: {  	_ =	shalt  }
0x6b: {  	_ =	shalt  }
0x6c: {  	_ =	shalt  }
0x6d: {  	_ =	shalt  }
0x6e: {  	_ =	shalt  }
0x6f: {  	_ =	shalt  }
0x70: {  	_ =	shalt  }
0x71: {  	_ =	shalt  }
0x72: {  	_ =	shalt  }
0x73: {  	_ =	shalt  }
0x74: {  	_ =	shalt  }
0x75: {  	_ =	shalt  }
0x76: {  	_ =	shalt  }
0x77: {  	_ =	shalt  }
0x78: {  	_ =	shalt  }
0x79: {  	_ =	shalt  }
0x7a: {  	_ =	shalt  }
0x7b: {  	_ =	shalt  }
0x7c: {  	_ =	shalt  }
0x7d: {  	_ =	shalt  }
0x7e: {  	_ =	shalt  }
0x7f: {  	_ =	shalt  }
0x80: {  	_ =	shalt  }
0x81: {  	_ =	shalt  }
0x82: {  	_ =	shalt  }
0x83: {  	_ =	shalt  }
0x84: {  	_ =	shalt  }
0x85: {  	_ =	shalt  }
0x86: {  	_ =	shalt  }
0x87: {  	_ =	shalt  }
.Lfunc_end0:
.L_simem_size_0:
called_computation.1_lowered:
.L_overlay_start_0:
0x88: {  	s2 =	sld [smem:$0x3FD9]  }
0x89: {  	s3 =	sld [smem:$0x3FFE];
	_ =	sdelay $0x1  }
0x8a: {  	s1 =	srdreg.scid  }
0x8b: {  	s0 =	sand.u32 $0x1, s1  }
0x8c: {  	s17 =	sshll.u32 s0, $0xA;
	s2 =	sadd.s32 s3, s2  }
0x8d: {  	s2 =	sadd.s32 s2, s17  }
0x8e: {  	[smem:$0x3FC6] =	sst s2  }
0x8f: {  	_ = 	snop  }
0x90: {  	s2 =	sld [smem:$0x3FD0];
	(tm) =	ssettm $0x1  }
0x91: {  	s18 =	sld [smem:$0x3FFB];
	_ =	sdelay $0x3  }
0x92: {  	_ =	strace s18  }
0x93: {  	s3 =	sld [smem:$0x3FFC];
	_ =	sdelay $0x3  }
0x94: {  	_ =	strace s3  }
0x95: {  	s3 =	sld [smem:$0x3FFD];
	_ =	sdelay $0x3  }
0x96: {  	_ =	strace s3  }
0x97: {  	_ =	strace $0x8FFFFFFF  }
0x98: {  	s19 =	sld [smem:$0x3FDB];
	_ =	sdelay $0x1  }
0x99: {  	s4 =	simm.s32 $_scs_section_size  }
0x9a: {  	s5 =	simm.s32 $_size__tile_overlayer_lowered;
	s6 =	simm.s32 $_tile_overlayer_lowered  }
0x9b: {  	s22 =	simm.s32 $0x1BFF;
	s21 =	sshll.u32 s6, $0x1;
	s3 =	sadd.s32 s4, s19  }
0x9c: {  	s7 =	simm.s32 $0x0;
	s20 =	sshll.u32 s5, $0x1;
	s5 =	sadd.s32 s21, s3  }
0x9d: {  	[timem:s7], [sflag:s22] =	dma.local [hbm:s5], s20  }
0x9e: {  	_ =	swait.ge [sflag:s22], s20  }
0x9f: {  	s4 =	ssub.s32 $0x0, s20;
	[sflag:s22] =	ssyncset.done $0x0  }
0xa0: {  	[sflag:s22] =	ssyncadd.s32 s4;
	_ =	sdelay $0x1  }
0xa1: {  	s23 =	simm.s32 $0x1B8B  }
0xa2: {  	_ =	swait.ge [sflag:s23], $0x1  }
0xa3: {  	[sflag:s23] =	ssyncset.done $0x0  }
0xa4: {  	s25 =	simm.s32 $0x1B8E;
	s24 =	sld [smem:$0x3FFE];
	[sflag:s23] =	ssyncadd.s32 $0xFFFFFFFF  }
0xa5: {  	s26 =	simm.s32 $execute0_lowered;
	[smem:$0x3FD2] =	sst s25  }
0xa6: {  	s5 =	sshll.u32 s26, $0x1;
	_ =	strace $0x80000046;
	[dreg:$0x1] =	wrdreg $0xFFFFFFFF  }
0xa7: {  	s28 =	simm.s32 $_size_execute0_lowered;
	s3 =	sadd.s32 s3, s5;
	[dreg:$0x0] =	wrdreg $0x0  }
0xa8: {  	s5 =	sshll.u32 s28, $0x1;
	[dreg:$0x2] =	wrdreg s3  }
0xa9: {  	[dreg:$0x3] =	wrdreg s5  }
0xaa: {  	[dreg:$0x4] =	wrdreg $0xC0  }
0xab: {  	_ =	task [dreg:s7], $0x5FFFF  }
0xac: {  	[dreg:$0x1] =	wrdreg $0xFFFFFFFF  }
0xad: {  	[dreg:$0x0] =	wrdreg $0x60  }
0xae: {  	[dreg:$0x2] =	wrdreg s2  }
0xaf: {  	[dreg:$0x3] =	wrdreg s24  }
0xb0: {  	[dreg:$0x4] =	wrdreg $0x9  }
0xb1: {  	_ =	task.clear_ibuf [dreg:s7], $0x5FFFF;
	_ =	strace $0x90000046  }
0xb2: {  	s29 =	simm.s32 $0x9;
	_ =	strace $0x80000048  }
0xb3: {  	_ =	swait.ge [sflag:s29], $0x1  }
0xb4: {  	[sflag:s29] =	ssyncadd.s32 $0xFFFFFFFF  }
0xb5: {  	_ =	strace $0x90000048  }
0xb6: {  	_ =	sfence  }
0xb7: {  	s30 =	sld [smem:$0x0];
	_ =	sdelay $0x2  }
0xb8: {  	s31 =	sshll.u32 s1, $0xD;
	s1 =	sshrl.u32 s1, $0x2  }
0xb9: {  	s3 =	sand.u32 $0x4000, s31;
	s1 =	sadd.s32 s1, s30  }
0xba: {  	s0 =	sor.u32 s3, s0;
	s1 =	sshll.u32 s1, $0x11  }
0xbb: {  	s0 =	sor.u32 s1, s0  }
0xbc: {  	s0 =	sadd.s32 $0x8F2B, s0  }
0xbd: {  	[sflag:s0] =	ssyncadd.remote.s32 $0x1  }
0xbe: {  	_ =	sfence.sel $0xFFFF  }
0xbf: {  	[dreg:$0x0] =	wrdreg $0xFFFFFFFF;
	(pc) =	sbr.abs _section_cstart, $3  }
0xc0: {  	[dreg:$0x1] =	wrdreg $0xFFFFFFFF  }
0xc1: {  	_ =	task.clear_ibuf [dreg:s7], $0x2FFFF;
	_ =	strace $0x9FFFFFFF  }
0xc2: {  	(tm) =	ssettm $0x7FFFFFFF  }
0xc3: {  	_ =	shalt  }
tec
execute0_lowered:
.L_overlay_start_1:
0x0: {  	(tag) =	ssettag $0x1  }
0x1: {  	s0 =	rddreg [dreg:$0x0]  }
0x2: {  	s1 =	rddreg [dreg:$0x1];
	s2 =	simm.s32 $0x0  }
0x3: {  	s11 =	srdreg.scid;
	s5 =	stileid.u32;
	s29 =	simm.s32 $0xC400  }
0x4: {  	s31 =	simm.s32 $0xD400;
	s28 =	simm.s32 $0x5;
	s30 =	simm.s32 $0x6  }
0x5: {  	[smem:$0x7FF] =	sst s2;
	s3 =	sadd.s32 $0xF42E00, s1;
	s2 =	sand.u32 $0x1, s11  }
0x6: {  	s4 =	smul.u32 $0x1C0000, s5;
	s5 =	sshll.u32 s5, $0xA;
	s1 =	sadd.s32 $0xA00, s1  }
0x7: {  	s6 =	sshll.u32 s2, $0x9;
	s7 =	smul.u32 $0xE0000, s2;
	s2 =	ssub.s32 $0x2, s2  }
0x8: {  	_ =	strace $0x80000047;
	s5 =	sor.u32 s6, s5;
	s12 =	sshrl.u32 s2, $0x1  }
0x9: {  	s5 =	sshrl.u32 s5, $0x3;
	s4 =	sadd.s32 s7, s4;
	s2 =	ssub.s32 s2, s12  }
0xa: {  	s0 =	sadd.s32 s0, s5;
	s13 =	sadd.s32 $0xA8020, s4;
	s2 =	smax.u32 s2, $0x1  }
0xb: {  	s14 =	sadd.s32 $0x70020, s4;
	s16 =	sadd.s32 $0x38020, s4;
	s18 =	sor.u32 $0x20, s4  }
0xc: {  	s20 =	sadd.s32 $0xA8000, s4;
	s22 =	sadd.s32 $0x70000, s4;
	s24 =	sadd.s32 $0x38000, s4  }
0xd: {  	s26 =	sshrl.u32 s4, $0x3;
	s4 =	simm.s32 $0x8;
	[dreg:$0x3] =	wrdreg s0  }
0xe: {  	[dreg:$0x4] =	wrdreg s2;
	s0 =	sshrl.u32 s13, $0x3;
	s15 =	sshrl.u32 s14, $0x3  }
0xf: {  	s17 =	sshrl.u32 s16, $0x3;
	s19 =	sshrl.u32 s18, $0x3;
	s21 =	sshrl.u32 s20, $0x3  }
0x10: {  	s23 =	sshrl.u32 s22, $0x3;
	s25 =	sshrl.u32 s24, $0x3;
	s13 =	sadd.s32 s26, s1  }
0x11: {  	s16 =	simm.s32 $0x9;
	s24 =	simm.s32 $0xA400;
	s26 =	simm.s32 $0xB400  }
0x12: {  	s20 =	simm.s32 $0x2;
	s22 =	simm.s32 $0x3;
	s2 =	simm.s32 $0x7  }
.Ltmp0:
0x13: {  	s14 =	simm.s32 $0x0;
	s6 =	sadd.s32 s0, s1;
	(pc) =	sbr.rel .LBB2_1-.Ltmp0, $4  }
0x14: {  	s7 =	sadd.s32 s15, s1;
	s8 =	sadd.s32 s17, s1;
	s9 =	sadd.s32 s19, s1  }
0x15: {  	s10 =	sadd.s32 s21, s1;
	s11 =	sadd.s32 s23, s1;
	s12 =	sadd.s32 s25, s1  }
0x16: {  	s17 =	simm.s32 $0x80;
	s23 =	simm.s32 $0x9400;
	s0 =	simm.s32 $0x1  }
0x17: {  	s1 =	simm.s32 $0x20;
	s15 =	simm.s32 $0x700;
	s25 =	simm.s32 $0x4  }
.LBB2_4:
0x18: {  	s14 =	rddreg [dreg:$0x5]  }
0x19: {  	s5 =	rddreg [dreg:$0x4];
	s14 =	sadd.s32 $0x1, s14  }
0x1a: {  	p0 =	sne.s32 s14, s5  }
.Ltmp1:
0x1b: {  	_ = 	snop;
	(pc) =	sbr.rel @!p0 .LBB2_5-.Ltmp1, $1  }
0x1c: {  	_ =	sdelay $0x3  }
.LBB2_1:
0x1d: {  	[dreg:$0x5] =	wrdreg s14;
	s5 =	simm.s32 $0x0  }
0x1e: {  	s21 =	rddreg [dreg:$0x3];
	s18 =	simm.s32 $0x200;
	s19 =	simm.s32 $0x4000  }
0x1f: {  	[tilespmem:s5], [sflag:$0x9] =	stream.strided.gather [hbm4b:s21+s18], $0x6400, s19, s18, $0x38;
	[tilespmem:$0xE400] =	vst v63  }
0x20: {  	_ =	swait.ge [sflag:s16], $0x6400  }
0x21: {  	[sflag:s16] =	ssyncset.done $0x0  }
0x22: {  	s21 =	simm.s32 $0x6400;
	[sflag:s16] =	ssyncadd.s32 $0xFFFF9C00  }
0x23: {  	[tilespmem:s21], [sflag:$0x1] =	stream.indirect.gather [hbm4b:s3+s17], $0x20, s5, s17, $0xb8;
	[tilespmem:$0xE400] =	vst v63  }
0x24: {  	s14 =	simm.s32 $0x7400  }
0x25: {  	[tilespmem:s14], [sflag:$0x2] =	stream.indirect.gather [hbm4b:s3+s17], $0x20, s17, s17, $0xb8;
	[tilespmem:$0xE400] =	vst v63  }
0x26: {  	s19 =	simm.s32 $0x100;
	s21 =	simm.s32 $0x8400  }
0x27: {  	[tilespmem:s21], [sflag:$0x3] =	stream.indirect.gather [hbm4b:s3+s17], $0x20, s19, s17, $0xb8;
	[tilespmem:$0xE400] =	vst v63  }
0x28: {  	s14 =	simm.s32 $0x180  }
0x29: {  	[tilespmem:s23], [sflag:$0x4] =	stream.indirect.gather [hbm4b:s3+s17], $0x20, s14, s17, $0xb8;
	[tilespmem:$0xE400] =	vst v63  }
0x2a: {  	_ = 	snop  }
0x2b: {  	[tilespmem:s24], [sflag:$0x5] =	stream.indirect.gather [hbm4b:s3+s17], $0x20, s18, s17, $0xb8;
	[tilespmem:$0xE400] =	vst v63  }
0x2c: {  	s18 =	simm.s32 $0x280  }
0x2d: {  	[tilespmem:s26], [sflag:$0x6] =	stream.indirect.gather [hbm4b:s3+s17], $0x20, s18, s17, $0xb8;
	[tilespmem:$0xE400] =	vst v63  }
0x2e: {  	s19 =	simm.s32 $0x300  }
0x2f: {  	[tilespmem:s29], [sflag:$0x7] =	stream.indirect.gather [hbm4b:s3+s17], $0x20, s19, s17, $0xb8;
	[tilespmem:$0xE400] =	vst v63  }
0x30: {  	s5 =	simm.s32 $0x0;
	s21 =	simm.s32 $0x380;
	s14 =	simm.s32 $0x400  }
0x31: {  	[tilespmem:s31], [sflag:$0x8] =	stream.indirect.gather [hbm4b:s3+s17], $0x20, s21, s17, $0xb8;
	[tilespmem:$0xE400] =	vst v63  }
.LBB2_2:
0x32: {  	_ =	swait.ge [sflag:s0], $0x1000  }
0x33: {  	[sflag:s0] =	ssyncset.done $0x0  }
0x34: {  	s18 =	sadd.s32 s5, s13;
	s19 =	simm.s32 $0x6400;
	[sflag:s0] =	ssyncadd.s32 $0xFFFFF000  }
0x35: {  	[hbm4b:s18+s1] =	stream.strided.scatter [tilespmem:s19], [sflag:$0x9], $0x1000, s15, s1, $0x38;
	[tilespmem:$0xE400] =	vst v63  }
0x36: {  	_ =	swait.ge [sflag:s16], $0x1000  }
0x37: {  	p0 =	seq.s32 s5, $0xC0;
	[sflag:s16] =	ssyncset.done $0x0  }
0x38: {  	s18 =	simm.s32 @!p0 $0x80;
	s19 =	simm.s32 @!p0 $0x6400;
	[sflag:s16] =	ssyncadd.s32 $0xFFFFF000  }
0x39: {  	[tilespmem:s19], [sflag:$0x1] =	stream.indirect.gather @!p0 [hbm4b:s3+s18], $0x20, s14, s18, $0xb8;
	[tilespmem:$0xE400] =	vst v63  }
0x3a: {  	_ =	swait.ge [sflag:s20], $0x1000  }
0x3b: {  	[sflag:s20] =	ssyncset.done $0x0  }
0x3c: {  	s21 =	simm.s32 $0x7400;
	s19 =	sadd.s32 s5, s12;
	[sflag:s20] =	ssyncadd.s32 $0xFFFFF000  }
0x3d: {  	[hbm4b:s19+s1] =	stream.strided.scatter [tilespmem:s21], [sflag:$0x9], $0x1000, s15, s1, $0x38;
	[tilespmem:$0xE400] =	vst v63  }
0x3e: {  	_ =	swait.ge [sflag:s16], $0x1000  }
0x3f: {  	[sflag:s16] =	ssyncset.done $0x0  }
0x40: {  	s19 =	sadd.s32 @!p0 $0x80, s14;
	s21 =	simm.s32 @!p0 $0x7400;
	[sflag:s16] =	ssyncadd.s32 $0xFFFFF000  }
0x41: {  	[tilespmem:s21], [sflag:$0x2] =	stream.indirect.gather @!p0 [hbm4b:s3+s18], $0x20, s19, s18, $0xb8;
	[tilespmem:$0xE400] =	vst v63  }
0x42: {  	_ =	swait.ge [sflag:s22], $0x1000  }
0x43: {  	[sflag:s22] =	ssyncset.done $0x0  }
0x44: {  	s19 =	sadd.s32 s5, s11;
	s21 =	simm.s32 $0x8400;
	[sflag:s22] =	ssyncadd.s32 $0xFFFFF000  }
0x45: {  	[hbm4b:s19+s1] =	stream.strided.scatter [tilespmem:s21], [sflag:$0x9], $0x1000, s15, s1, $0x38;
	[tilespmem:$0xE400] =	vst v63  }
0x46: {  	_ =	swait.ge [sflag:s16], $0x1000  }
0x47: {  	[sflag:s16] =	ssyncset.done $0x0  }
0x48: {  	s19 =	sadd.s32 @!p0 $0x100, s14;
	s21 =	simm.s32 @!p0 $0x8400;
	[sflag:s16] =	ssyncadd.s32 $0xFFFFF000  }
0x49: {  	[tilespmem:s21], [sflag:$0x3] =	stream.indirect.gather @!p0 [hbm4b:s3+s18], $0x20, s19, s18, $0xb8;
	[tilespmem:$0xE400] =	vst v63  }
0x4a: {  	_ =	swait.ge [sflag:s25], $0x1000  }
0x4b: {  	[sflag:s25] =	ssyncset.done $0x0  }
0x4c: {  	s21 =	sadd.s32 s5, s10;
	[sflag:s25] =	ssyncadd.s32 $0xFFFFF000  }
0x4d: {  	[hbm4b:s21+s1] =	stream.strided.scatter [tilespmem:s23], [sflag:$0x9], $0x1000, s15, s1, $0x38;
	[tilespmem:$0xE400] =	vst v63  }
0x4e: {  	_ =	swait.ge [sflag:s16], $0x1000  }
0x4f: {  	[sflag:s16] =	ssyncset.done $0x0  }
0x50: {  	s19 =	sadd.s32 @!p0 $0x180, s14;
	s21 =	simm.s32 @!p0 $0x9400;
	[sflag:s16] =	ssyncadd.s32 $0xFFFFF000  }
0x51: {  	[tilespmem:s21], [sflag:$0x4] =	stream.indirect.gather @!p0 [hbm4b:s3+s18], $0x20, s19, s18, $0xb8;
	[tilespmem:$0xE400] =	vst v63  }
0x52: {  	_ =	swait.ge [sflag:s28], $0x1000  }
0x53: {  	[sflag:s28] =	ssyncset.done $0x0  }
0x54: {  	s21 =	sadd.s32 s5, s9;
	[sflag:s28] =	ssyncadd.s32 $0xFFFFF000  }
0x55: {  	[hbm4b:s21+s1] =	stream.strided.scatter [tilespmem:s24], [sflag:$0x9], $0x1000, s15, s1, $0x38;
	[tilespmem:$0xE400] =	vst v63  }
0x56: {  	_ =	swait.ge [sflag:s16], $0x1000  }
0x57: {  	[sflag:s16] =	ssyncset.done $0x0  }
0x58: {  	s19 =	sadd.s32 @!p0 $0x200, s14;
	s21 =	simm.s32 @!p0 $0xA400;
	[sflag:s16] =	ssyncadd.s32 $0xFFFFF000  }
0x59: {  	[tilespmem:s21], [sflag:$0x5] =	stream.indirect.gather @!p0 [hbm4b:s3+s18], $0x20, s19, s18, $0xb8;
	[tilespmem:$0xE400] =	vst v63  }
0x5a: {  	_ =	swait.ge [sflag:s30], $0x1000  }
0x5b: {  	[sflag:s30] =	ssyncset.done $0x0  }
0x5c: {  	s21 =	sadd.s32 s5, s8;
	[sflag:s30] =	ssyncadd.s32 $0xFFFFF000  }
0x5d: {  	[hbm4b:s21+s1] =	stream.strided.scatter [tilespmem:s26], [sflag:$0x9], $0x1000, s15, s1, $0x38;
	[tilespmem:$0xE400] =	vst v63  }
0x5e: {  	_ =	swait.ge [sflag:s16], $0x1000  }
0x5f: {  	[sflag:s16] =	ssyncset.done $0x0  }
0x60: {  	s19 =	sadd.s32 @!p0 $0x280, s14;
	s21 =	simm.s32 @!p0 $0xB400;
	[sflag:s16] =	ssyncadd.s32 $0xFFFFF000  }
0x61: {  	[tilespmem:s21], [sflag:$0x6] =	stream.indirect.gather @!p0 [hbm4b:s3+s18], $0x20, s19, s18, $0xb8;
	[tilespmem:$0xE400] =	vst v63  }
0x62: {  	_ =	swait.ge [sflag:s2], $0x1000  }
0x63: {  	[sflag:s2] =	ssyncset.done $0x0  }
0x64: {  	s21 =	sadd.s32 s5, s7;
	[sflag:s2] =	ssyncadd.s32 $0xFFFFF000  }
0x65: {  	[hbm4b:s21+s1] =	stream.strided.scatter [tilespmem:s29], [sflag:$0x9], $0x1000, s15, s1, $0x38;
	[tilespmem:$0xE400] =	vst v63  }
0x66: {  	_ =	swait.ge [sflag:s16], $0x1000  }
0x67: {  	[sflag:s16] =	ssyncset.done $0x0  }
0x68: {  	s19 =	sadd.s32 @!p0 $0x300, s14;
	s21 =	simm.s32 @!p0 $0xC400;
	[sflag:s16] =	ssyncadd.s32 $0xFFFFF000  }
0x69: {  	[tilespmem:s21], [sflag:$0x7] =	stream.indirect.gather @!p0 [hbm4b:s3+s18], $0x20, s19, s18, $0xb8;
	[tilespmem:$0xE400] =	vst v63  }
0x6a: {  	_ =	swait.ge [sflag:s4], $0x1000  }
0x6b: {  	[sflag:s4] =	ssyncset.done $0x0  }
.Ltmp2:
0x6c: {  	s21 =	sadd.s32 s5, s6;
	[sflag:s4] =	ssyncadd.s32 $0xFFFFF000;
	(pc) =	sbr.rel @p0 .LBB2_4-.Ltmp2, $4  }
0x6d: {  	[hbm4b:s21+s1] =	stream.strided.scatter [tilespmem:s31], [sflag:$0x9], $0x1000, s15, s1, $0x38;
	[tilespmem:$0xE400] =	vst v63  }
0x6e: {  	_ =	swait.ge [sflag:s16], $0x1000  }
0x6f: {  	[sflag:s16] =	ssyncset.done $0x0  }
0x70: {  	[sflag:s16] =	ssyncadd.s32 $0xFFFFF000  }
.Ltmp3:
0x71: {  	(pc) =	sbr.rel .LBB2_2-.Ltmp3, $3  }
0x72: {  	_ =	sdelay $0x1  }
0x73: {  	s18 =	sadd.s32 $0x380, s14;
	s5 =	sadd.s32 $0x8, s5;
	s14 =	sadd.s32 $0x400, s14  }
0x74: {  	[tilespmem:s31], [sflag:$0x8] =	stream.indirect.gather [hbm4b:s3+s17], $0x20, s18, s17, $0xb8;
	[tilespmem:$0xE400] =	vst v63  }
.LBB2_5:
0x75: {  	_ =	sfence.sel $0x180000  }
0x76: {  	[bflag:$0x0] =	sbarrier.arrive $0xFFFF  }
0x77: {  	_ =	strace $0x90000047  }
0x78: {  	s0 =	stileid.u32;
	[bflag:$0x2] =	sbarrier.arrive $0xFFFF  }
0x79: {  	p0 =	sne.s32 s0, $0x0;
	s0 =	rddreg [dreg:$0x2]  }
0x7a: {  	s0 =	sadd.s32 @!p0 $0x100000, s0  }
0x7b: {  	[sflag:s0] =	ssyncadd.tile.s32 @!p0 $0x1;
	_ =	shalt  }
.Lfunc_end2:
_tile_overlayer_lowered:
.L_overlay_start_2:
0x7c: {  	(tag) =	ssettag $0x2  }
0x7d: {  	s0 =	rddreg [dreg:$0x0];
	s2 =	stileid.u32  }
0x7e: {  	s1 =	rddreg [dreg:$0x1];
	p0 =	sne.s32 s2, $0x0  }
0x7f: {  	s3 =	rddreg [dreg:$0x2];
	[bflag:$0x3] =	sbarrier.arrive $0xFFFF;
	s2 =	simm.s32 @!p0 $0x1C09  }
0x80: {  	[timem:s3], [sflag:s2] =	dma.local @!p0 [hbm:s0], s1  }
0x81: {  	s0 =	simm.s32 @!p0 $0x9  }
0x82: {  	_ =	swait.ge @!p0 [sflag:s0], s1  }
0x83: {  	s1 =	ssub.s32 @!p0 $0x0, s1;
	[sflag:s0] =	ssyncset.done @!p0 $0x0  }
0x84: {  	[sflag:s0] =	ssyncadd.s32 @!p0 s1  }
0x85: {  	[bflag:$0x3] =	sbarrier.arrive $0xFFFF  }
0x86: {  	_ =	shalt  }

// kernel: sparse-core-data-format-call.cloned.1.call-start
scs
called_computation_lowered:
.L_overlay_start_0:
0x0: {  	s2 =	sld [smem:$0x3FD9]  }
0x1: {  	s3 =	sld [smem:$0x3FFE];
	_ =	sdelay $0x1  }
0x2: {  	s1 =	srdreg.scid  }
0x3: {  	s0 =	sand.u32 $0x1, s1  }
0x4: {  	s18 =	sshll.u32 s0, $0xA;
	s2 =	sadd.s32 s3, s2  }
0x5: {  	s2 =	sadd.s32 s2, s18  }
0x6: {  	[smem:$0x3FC6] =	sst s2  }
0x7: {  	_ = 	snop  }
0x8: {  	s2 =	sld [smem:$0x3FD0];
	(tm) =	ssettm $0x1  }
0x9: {  	s19 =	sld [smem:$0x3FFB];
	_ =	sdelay $0x3  }
0xa: {  	_ =	strace s19  }
0xb: {  	s3 =	sld [smem:$0x3FFC];
	_ =	sdelay $0x3  }
0xc: {  	_ =	strace s3  }
0xd: {  	s3 =	sld [smem:$0x3FFD];
	_ =	sdelay $0x3  }
0xe: {  	_ =	strace s3  }
0xf: {  	_ =	strace $0x8FFFFFFF  }
0x10: {  	s20 =	sld [smem:$0x3FDB];
	_ =	sdelay $0x1  }
0x11: {  	s4 =	simm.s32 $_scs_section_size  }
0x12: {  	s5 =	simm.s32 $_size__tile_overlayer_lowered;
	s6 =	simm.s32 $_tile_overlayer_lowered  }
0x13: {  	s23 =	simm.s32 $0x1BFF;
	s22 =	sshll.u32 s6, $0x1;
	s3 =	sadd.s32 s4, s20  }
0x14: {  	s7 =	simm.s32 $0x0;
	s21 =	sshll.u32 s5, $0x1;
	s5 =	sadd.s32 s22, s3  }
0x15: {  	[timem:s7], [sflag:s23] =	dma.local [hbm:s5], s21  }
0x16: {  	_ =	swait.ge [sflag:s23], s21  }
0x17: {  	s4 =	ssub.s32 $0x0, s21;
	[sflag:s23] =	ssyncset.done $0x0  }
0x18: {  	[sflag:s23] =	ssyncadd.s32 s4;
	_ =	sdelay $0x1  }
0x19: {  	s24 =	simm.s32 $0x1B8B  }
0x1a: {  	_ =	swait.ge [sflag:s24], $0x1  }
0x1b: {  	[sflag:s24] =	ssyncset.done $0x0  }
0x1c: {  	s26 =	simm.s32 $0x1B8E;
	s25 =	sld [smem:$0x3FFE];
	[sflag:s24] =	ssyncadd.s32 $0xFFFFFFFF  }
0x1d: {  	s27 =	simm.s32 $execute0_lowered;
	[smem:$0x3FD2] =	sst s26  }
0x1e: {  	s5 =	sshll.u32 s27, $0x1;
	_ =	strace $0x80000049;
	[dreg:$0x1] =	wrdreg $0xFFFFFFFF  }
0x1f: {  	s28 =	simm.s32 $_size_execute0_lowered;
	s3 =	sadd.s32 s3, s5;
	[dreg:$0x0] =	wrdreg $0x0  }
0x20: {  	s5 =	sshll.u32 s28, $0x1;
	[dreg:$0x2] =	wrdreg s3  }
0x21: {  	[dreg:$0x3] =	wrdreg s5  }
0x22: {  	[dreg:$0x4] =	wrdreg $0xC0  }
0x23: {  	_ =	task [dreg:s7], $0x5FFFF  }
0x24: {  	[dreg:$0x1] =	wrdreg $0xFFFFFFFF  }
0x25: {  	[dreg:$0x0] =	wrdreg $0x60  }
0x26: {  	[dreg:$0x2] =	wrdreg s25  }
0x27: {  	[dreg:$0x3] =	wrdreg s2  }
0x28: {  	[dreg:$0x4] =	wrdreg $0x9  }
0x29: {  	_ =	task.clear_ibuf [dreg:s7], $0x5FFFF;
	_ =	strace $0x90000049  }
0x2a: {  	s29 =	simm.s32 $0x9;
	_ =	strace $0x8000004B  }
0x2b: {  	_ =	swait.ge [sflag:s29], $0x1  }
0x2c: {  	[sflag:s29] =	ssyncadd.s32 $0xFFFFFFFF  }
0x2d: {  	_ =	strace $0x9000004B  }
0x2e: {  	_ =	sfence  }
0x2f: {  	s30 =	sld [smem:$0x0];
	_ =	sdelay $0x2  }
0x30: {  	s31 =	sshll.u32 s1, $0xD;
	s1 =	sshrl.u32 s1, $0x2  }
0x31: {  	s3 =	sand.u32 $0x4000, s31;
	s1 =	sadd.s32 s1, s30  }
0x32: {  	s0 =	sor.u32 s3, s0;
	s1 =	sshll.u32 s1, $0x11  }
0x33: {  	s0 =	sor.u32 s1, s0  }
0x34: {  	s0 =	sadd.s32 $0x8F2B, s0  }
0x35: {  	[sflag:s0] =	ssyncadd.remote.s32 $0x1  }
0x36: {  	_ =	sfence.sel $0xFFFF  }
0x37: {  	[dreg:$0x0] =	wrdreg $0xFFFFFFFF;
	(pc) =	sbr.abs _section_cstart, $3  }
0x38: {  	[dreg:$0x1] =	wrdreg $0xFFFFFFFF  }
0x39: {  	_ =	task.clear_ibuf [dreg:s7], $0x2FFFF;
	_ =	strace $0x9FFFFFFF  }
0x3a: {  	(tm) =	ssettm $0x7FFFFFFF  }
0x3b: {  	_ =	shalt  }
tec
execute0_lowered:
.L_overlay_start_1:
0x0: {  	(tag) =	ssettag $0x1  }
0x1: {  	s0 =	srdreg.scid  }
0x2: {  	s1 =	sshll.u32 s0, $0x4  }
0x3: {  	s0 =	stileid.u32;
	s1 =	sand.u32 $0x10, s1  }
0x4: {  	s1 =	sor.u32 s0, s1  }
0x5: {  	s6 =	rddreg [dreg:$0x0];
	s4 =	simm.s32 $0x1;
	s2 =	sshll.u32 s1, $0x7  }
0x6: {  	s7 =	simm.s32 $0x2;
	s12 =	simm.s32 $0x0;
	s1 =	ssub.s32 $0x4000, s2  }
0x7: {  	s8 =	simm.s32 $0x20000;
	s13 =	simm.s32 $0x0;
	s3 =	sand.u32 $0xF80, s1  }
0x8: {  	s9 =	simm.s32 $0x0;
	s5 =	sshrl.u32 s1, $0xC;
	p0 =	sne.s32 s3, $0x0  }
.Ltmp0:
0x9: {  	s1 =	rddreg [dreg:$0x2];
	s4 =	simm.s32 @!p0 $0x0;
	(pc) =	sbr.rel .LBB1_1-.Ltmp0, $4  }
0xa: {  	s11 =	simm.s32 $0x0;
	s3 =	rddreg [dreg:$0x1];
	s5 =	sadd.s32 s4, s5  }
0xb: {  	_ =	strace $0x8000004A;
	s4 =	simm.s32 $0x1;
	s5 =	smul.u32 $0x32, s5  }
0xc: {  	s6 =	sadd.s32 $0x380A00, s6;
	s10 =	smov.u32 s2;
	[sflag:s4] =	ssyncpa.u1 $0x0  }
0xd: {  	p0 =	por $0x0, $0x0;
	[sflag:s7] =	ssyncpa.u1 $0x0;
	s7 =	sor.u32 $0x1, s5  }
.LBB1_4:
0xe: {  	s16 =	sshll.u32 s13, $0x3;
	s17 =	sand.u32 $0x78, s13  }
0xf: {  	s30 =	sand.u32 $0xF800, s13;
	s12 =	sshll.u32 s12, $0x10;
	s16 =	sand.u32 $0x3C00, s16  }
0x10: {  	s31 =	sand.u32 $0x7, s13;
	s16 =	sor.u32 s17, s16;
	s17 =	sadd.s32 s3, s30  }
0x11: {  	s13 =	sshll.u32 s31, $0x12;
	s16 =	sshrl.u32 s16, $0x3;
	s12 =	sadd.s32 s12, s17  }
0x12: {  	[tilespmem:s15+$0x0 ss:$0x81] =	vst.msk $0xffff, v0;
	s13 =	sor.u32 $0x400, s13;
	s12 =	sadd.s32 s16, s12  }
0x13: {  	[hbm4b:s12+s13] =	stream.strided.scatter [tilespmem:s14], [sflag:$0x2], $0x1000, s8, s13, $0x20;
	[tilespmem:$0x4040] =	vst v63  }
.LBB1_5:
0x14: {  	s14 =	sadd.s32 $0x1, s9  }
0x15: {  	s12 =	sadd.s32 $0x1000, s10;
	s16 =	smov.u32 s10;
	p2 =	sgt.s32 s14, $0x31  }
0x16: {  	s16 =	smov.u32 @p2 s12  }
0x17: {  	s14 =	simm.s32 @p2 $0x0;
	p2 =	sgt.s32 s16, $0x3FFF  }
0x18: {  	s16 =	smov.u32 @p2 s2;
	p2 =	sne.s32 s11, s7  }
.Ltmp1:
0x19: {  	p1 =	slt.u32 s11, $0x2;
	(pc) =	sbr.rel @!p2 .LBB1_6-.Ltmp1, $4  }
0x1a: {  	s15 =	simm.s32 @!p1 $0x2  }
0x1b: {  	s13 =	smov.u32 s10;
	p0 =	por !p0, !p0;
	_ =	swait.ge @!p1 [sflag:s15], $0x1000  }
0x1c: {  	s12 =	smov.u32 s9;
	[sflag:s15] =	ssyncset.done @!p1 $0x0;
	s9 =	smov.u32 s14  }
0x1d: {  	s11 =	sadd.s32 $0x1, s11;
	[sflag:s15] =	ssyncadd.s32 @!p1 $0xFFFFF000;
	s10 =	smov.u32 s16  }
.LBB1_1:
0x1e: {  	p1 =	sge.u32 s11, s5  }
0x1f: {  	s14 =	sand.u32 @!p1 $0x1FFFFFF, s9  }
0x20: {  	s15 =	smulhi.u32 @!p1 $0x4924925, s14;
	_ =	sdelay $0x1  }
0x21: {  	s15 =	smul.u32 @!p1 $0x38, s15  }
0x22: {  	s16 =	sxor.u32 @!p1 $0xFFFFFFFF, s11;
	s17 =	smul.u32 @!p1 $0x380, s10  }
0x23: {  	s31 =	sadd.s32 $0xFFFFFFFF, s11;
	s16 =	sshll.u32 @!p1 s16, $0xC;
	s14 =	ssub.s32 @!p1 s14, s15  }
0x24: {  	s15 =	sand.u32 @!p1 $0x1000, s16;
	s16 =	sadd.s32 @!p1 s6, s17;
	s14 =	sshll.u32 @!p1 s14, $0x4  }
0x25: {  	s17 =	simm.s32 @!p1 $0x1C00;
	s14 =	sadd.s32 @!p1 s14, s16;
	s16 =	simm.s32 @!p1 $0x20  }
0x26: {  	[tilespmem:s15], [sflag:$0x1] =	stream.strided.gather @!p1 [hbm4b:s14+s16], $0x1000, s17, s16, $0x38;
	[tilespmem:$0x4040] =	vst v63  }
0x27: {  	p1 =	sge.u32 s31, s5  }
.Ltmp2:
0x28: {  	_ = 	snop;
	(pc) =	sbr.rel @p1 .LBB1_5-.Ltmp2, $1  }
0x29: {  	_ =	sdelay $0x3  }
0x2a: {  	s14 =	simm.s32 $0x1  }
0x2b: {  	_ =	swait.ge [sflag:s4], $0x1000;
	s14 =	simm.s32 @!p0 $0x0  }
0x2c: {  	[sflag:s4] =	ssyncset.done $0x0;
	s15 =	sshll.u32 s14, $0xC  }
0x2d: {  	[sflag:s4] =	ssyncadd.s32 $0xFFFFF000;
	s18 =	sor.u32 $0x10, s15  }
0x2e: {  	s14 =	smul.u32 $0x4080, s14;
	v1 =	vld [tilespmem:s18+$0x0]  }
0x2f: {  	s30 =	sand.u32 $0x1, s11;
	v0 =	vld [tilespmem:s18+$0xFFFFFFF0]  }
0x30: {  	s15 =	smul.u32 $0x4080, s30;
	s14 =	sshrl.u32 s14, $0x2  }
0x31: {  	s16 =	sor.u32 $0x2000, s14  }
0x32: {  	s31 =	sshrl.u32 s15, $0x2;
	s15 =	sadd.s32 $0x0, s16  }
0x33: {  	s17 =	simm.s32 $0x4;
	s18 =	sadd.s32 $0x20, s18;
	s14 =	sor.u32 $0x2000, s31;
	[tilespmem:s15+$0x810 ss:$0x81] =	vst.msk $0xffff, v1  }
.LBB1_3:
0x34: {  	v1 =	vld [tilespmem:s18+$0x0];
	p1 =	sne.s32 s17, $0x1FC;
	[tilespmem:s15+$0x0 ss:$0x81] =	vst.msk $0xffff, v0;
	s15 =	smov.u32 s17;
	s17 =	sadd.s32 $0x4, s17  }
.Ltmp3:
0x35: {  	v0 =	vld [tilespmem:s18+$0xFFFFFFF0];
	(pc) =	sbr.rel @p1 .LBB1_3-.Ltmp3, $4  }
0x36: {  	_ = 	snop  }
0x37: {  	s15 =	sshra.s32 s15, $0x2  }
0x38: {  	s15 =	sadd.s32 s15, s16  }
0x39: {  	s18 =	sadd.s32 $0x20, s18;
	[tilespmem:s15+$0x810 ss:$0x81] =	vst.msk $0xffff, v1  }
.Ltmp4:
0x3a: {  	_ = 	snop;
	(pc) =	sbr.rel .LBB1_4-.Ltmp4, $1  }
0x3b: {  	_ =	sdelay $0x3  }
.LBB1_6:
0x3c: {  	_ =	sfence.sel $0x180000  }
0x3d: {  	s2 =	simm.s32 $0x1;
	[bflag:$0x0] =	sbarrier.arrive $0xFFFF  }
0x3e: {  	s31 =	simm.s32 $0x2;
	[sflag:s2] =	ssyncpa.u1 $0x1  }
0x3f: {  	[sflag:s31] =	ssyncpa.u1 $0x1  }
0x40: {  	p0 =	sne.s32 s0, $0x0;
	_ =	strace $0x9000004A  }
0x41: {  	s0 =	sadd.s32 @!p0 $0x100000, s1;
	[bflag:$0x2] =	sbarrier.arrive $0xFFFF  }
0x42: {  	[sflag:s0] =	ssyncadd.tile.s32 @!p0 $0x1;
	_ =	shalt  }
.Lfunc_end1:
_tile_overlayer_lowered:
.L_overlay_start_2:
0x43: {  	(tag) =	ssettag $0x2  }
0x44: {  	s0 =	rddreg [dreg:$0x0];
	s2 =	stileid.u32  }
0x45: {  	s1 =	rddreg [dreg:$0x1];
	p0 =	sne.s32 s2, $0x0  }
0x46: {  	s3 =	rddreg [dreg:$0x2];
	[bflag:$0x3] =	sbarrier.arrive $0xFFFF;
	s2 =	simm.s32 @!p0 $0x1C01  }
0x47: {  	[timem:s3], [sflag:s2] =	dma.local @!p0 [hbm:s0], s1  }
0x48: {  	s0 =	simm.s32 @!p0 $0x1  }
0x49: {  	_ =	swait.ge @!p0 [sflag:s0], s1  }
0x4a: {  	s1 =	ssub.s32 @!p0 $0x0, s1;
	[sflag:s0] =	ssyncset.done @!p0 $0x0  }
0x4b: {  	[sflag:s0] =	ssyncadd.s32 @!p0 s1  }
0x4c: {  	[bflag:$0x3] =	sbarrier.arrive $0xFFFF  }
0x4d: {  	_ =	shalt  }

</sc_bundles>
